<compile_context>
chip_gen: v7x
topology: tpu7x:2x2x1
jax: 0.10.2.dev20260603
libtpu: 0.0.44.dev20260713+nightly
codegen_flags: <defaults>
</compile_context>

<pallas_src>
import functools

import jax
import jax.numpy as jnp
from jax import lax
from jax.experimental import pallas as pl
from jax.experimental.pallas import tpu as pltpu
from jax.experimental.pallas import tpu_sc as plsc

UNK = 0
IGNORE = -100
EPS = 1e-20
LN2 = 0.6931471805599453
SQRT2 = 1.4142135623730951


def _vlog(x):
    bits = lax.bitcast_convert_type(x, jnp.int32)
    e = ((bits >> 23) & 0xFF) - 127
    m = lax.bitcast_convert_type((bits & 0x007FFFFF) | 0x3F800000, jnp.float32)
    big = m >= SQRT2
    m = jnp.where(big, m * 0.5, m)
    e = jnp.where(big, e + 1, e)
    s = (m - 1.0) / (m + 1.0)
    s2 = s * s
    p = 2.0 * s * (1.0 + s2 * (1.0 / 3.0 + s2 * (0.2 + s2 * (1.0 / 7.0))))
    return e.astype(jnp.float32) * LN2 + p


def kernel(scores, align_src, align_conv, target):
    planes, n, vocab = scores.shape
    rows_per_plane = vocab * n // 128
    scores_t = jnp.transpose(scores, (0, 2, 1))
    align_src = align_src.astype(jnp.int32)
    align_conv = align_conv.astype(jnp.int32)
    target = target.astype(jnp.int32)

    info = plsc.get_sparse_core_info()
    nc = 1
    nw = nc * info.num_subcores
    bw = n // nw
    nch = bw // 16

    mesh = plsc.VectorSubcoreMesh(core_axis_name="c", subcore_axis_name="s",
                                  num_cores=nc)

    @functools.partial(
        pl.kernel,
        mesh=mesh,
        compiler_params=pltpu.CompilerParams(needs_layout_passes=False),
        out_type=jax.ShapeDtypeStruct((n,), jnp.float32),
        scratch_types=[
            pltpu.VMEM((bw,), jnp.int32),
            pltpu.VMEM((bw,), jnp.int32),
            pltpu.VMEM((bw,), jnp.int32),
            pltpu.VMEM((3 * bw,), jnp.int32),
            pltpu.VMEM((3 * bw, 128), jnp.float32),
            pltpu.VMEM((bw,), jnp.float32),
            pltpu.SemaphoreType.DMA,
            pltpu.SemaphoreType.DMA,
        ],
    )
    def _k(scores_hbm, tgt_hbm, src_hbm, conv_hbm, out_hbm,
           tgt_v, src_v, conv_v, idx_v, win_v, out_v, sem_i, sem_w):
        wid = lax.axis_index("s") * nc + lax.axis_index("c")
        base = wid * bw
        tab = scores_hbm.reshape(planes * vocab, n)
        cp_t = pltpu.make_async_copy(tgt_hbm.at[pl.ds(base, bw)], tgt_v, sem_i)
        cp_s = pltpu.make_async_copy(src_hbm.at[pl.ds(base, bw)], src_v, sem_i)
        cp_c = pltpu.make_async_copy(conv_hbm.at[pl.ds(base, bw)], conv_v, sem_i)
        cp_t.start(); cp_s.start(); cp_c.start()
        cp_t.wait(); cp_s.wait(); cp_c.wait()
        lanes = lax.iota(jnp.int32, 16)

        def _build(jj, _):
            o = jj * 16
            idx_v[pl.ds(o, 16)] = tgt_v[pl.ds(o, 16)]
            idx_v[pl.ds(bw + o, 16)] = vocab + src_v[pl.ds(o, 16)]
            idx_v[pl.ds(2 * bw + o, 16)] = 2 * vocab + conv_v[pl.ds(o, 16)]
            return 0

        lax.fori_loop(0, nch, _build, 0)
        rs = pl.multiple_of((base >> 7) << 7, 128)
        pltpu.async_copy(tab.at[idx_v, pl.ds(rs, 128)], win_v, sem_w).wait()

        def _extract(jj, _):
            o = jj * 16
            j16 = o + lanes
            rloc = (base & 127) + j16
            tgt = tgt_v[pl.ds(o, 16)]
            src = src_v[pl.ds(o, 16)]
            conv = conv_v[pl.ds(o, 16)]
            v = plsc.load_gather(win_v, [j16, rloc])
            c = plsc.load_gather(win_v, [bw + j16, rloc])
            cc = plsc.load_gather(win_v, [2 * bw + j16, rloc])
            src_unk = src == UNK
            conv_unk = conv == UNK
            ct = jnp.where(src_unk, 0.0, c) + EPS
            ccv = jnp.where(conv_unk, 0.0, cc) + EPS
            non_copy = (src_unk & conv_unk) | (tgt != UNK)
            probs = ct + ccv + jnp.where(non_copy, v, 0.0)
            loss = -_vlog(probs)
            out_v[pl.ds(o, 16)] = jnp.where(tgt == IGNORE, 0.0, loss)
            return 0

        lax.fori_loop(0, nch, _extract, 0)
        pltpu.sync_copy(out_v, out_hbm.at[pl.ds(base, bw)])

    return _k(scores_t, target, align_src, align_conv)

# --- scband reference (transcript-rebuilt; emitter-appended) ---
"""Pipeline reference for scband-copy-generator-loss-59880434041182 (READ-ONLY COPY).

The authoritative reference and input builder live on the scoring server;
editing this copy changes nothing except your own understanding.
"""

import jax, jax.numpy as jnp
import numpy as np

VOCAB = 100000
N = 1024
UNK_INDEX = 0
IGNORE_INDEX = -100
EPS = 1e-20
FORCE_COPY = False


def setup_inputs(seed: int = 0) -> dict:
    key = jax.random.key(seed)
    k1, k2, k3, k4 = jax.random.split(key, 4)
    scores = jax.random.uniform(k1, (3, N, VOCAB), dtype=jnp.float32)
    align_src = jax.random.randint(k2, (N,), 0, VOCAB)
    align_conv = jax.random.randint(k3, (N,), 0, VOCAB)
    target = jax.random.randint(k4, (N,), 0, VOCAB)
    return {"scores": scores, "align_src": align_src, "align_conv": align_conv, "target": target}


def reference(scores, align_src, align_conv, target):
    # gather per-row probabilities
    vocab_probs = jnp.take_along_axis(scores[0], target[:, None], axis=1)[:, 0]
    copy_tok_probs = jnp.take_along_axis(scores[1], align_src[:, None], axis=1)[:, 0]
    copy_conv_tok_probs = jnp.take_along_axis(scores[2], align_conv[:, None], axis=1)[:, 0]
    # zero out probability for unk alignments, then add eps
    copy_tok_probs = jnp.where(align_src == UNK_INDEX, 0.0, copy_tok_probs) + EPS
    copy_conv_tok_probs = jnp.where(align_conv == UNK_INDEX, 0.0, copy_conv_tok_probs) + EPS
    # non_copy[i] is True iff both alignments are unk (vectorized form of the torch loop)
    non_copy = (align_src == UNK_INDEX) & (align_conv == UNK_INDEX)
    if not FORCE_COPY:
        non_copy = non_copy | (target != UNK_INDEX)
    probs = jnp.where(non_copy,
                      copy_tok_probs + copy_conv_tok_probs + vocab_probs,
                      copy_tok_probs + copy_conv_tok_probs)
    loss = -jnp.log(probs)
    loss = jnp.where(target == IGNORE_INDEX, 0.0, loss)
    return loss

if __name__ == "__main__":
    import jax
    _d = setup_inputs()
    print(jax.jit(kernel)(*tuple(_d.values())))

</pallas_src>

<mosaic_0001>
#map = affine_map<(d0, d1) -> (0, 0, 0)>
#map1 = affine_map<(d0, d1) -> (0)>
module attributes {stable_mosaic.version = 14 : i64} {
  func.func @_k(%arg0: i32, %arg1: i32, %arg2: memref<3x100000x1024xf32, #tpu.memory_space<hbm>>, %arg3: memref<1024xi32, #tpu.memory_space<hbm>>, %arg4: memref<1024xi32, #tpu.memory_space<hbm>>, %arg5: memref<1024xi32, #tpu.memory_space<hbm>>, %arg6: memref<1024xf32, #tpu.memory_space<hbm>>, %arg7: memref<64xi32, #tpu.memory_space<vmem>>, %arg8: memref<64xi32, #tpu.memory_space<vmem>>, %arg9: memref<64xi32, #tpu.memory_space<vmem>>, %arg10: memref<192xi32, #tpu.memory_space<vmem>>, %arg11: memref<192x128xf32, #tpu.memory_space<vmem>>, %arg12: memref<64xf32, #tpu.memory_space<vmem>>, %arg13: memref<!tpu.dma_semaphore, #tpu.memory_space<semaphore_mem>>, %arg14: memref<!tpu.dma_semaphore, #tpu.memory_space<semaphore_mem>>) attributes {dimension_semantics = [#tpu.dimension_semantics<core_parallel>, #tpu.dimension_semantics<subcore_parallel>], iteration_bounds = array<i64: 1, 16>, scalar_prefetch = 0 : i64, scratch_operands = 8 : i64, tpu.core_type = #tpu.core_type<sc_vector_subcore>, window_params = [{transform_indices = #map}, {transform_indices = #map1}, {transform_indices = #map1}, {transform_indices = #map1}, {transform_indices = #map1}]} {
    %mul3A = arith.constant 1 : i32
    %mul3A_0 = arith.muli %arg1, %mul3A : i32
    %add3A = arith.addi %mul3A_0, %arg0 : i32
    %mul3A_1 = arith.constant 64 : i32
    %mul3A_2 = arith.muli %add3A, %mul3A_1 : i32
    %dma_start3A = tpu.memref_slice %arg3[%mul3A_2] : memref<1024xi32, #tpu.memory_space<hbm>> -> memref<64xi32, #tpu.memory_space<hbm>>
    %dma_start3A_3 = tpu.memref_slice %arg3[%mul3A_2] : memref<1024xi32, #tpu.memory_space<hbm>> -> memref<64xi32, #tpu.memory_space<hbm>>
    tpu.enqueue_dma source(%dma_start3A_3 : memref<64xi32, #tpu.memory_space<hbm>>) target(%arg7 : memref<64xi32, #tpu.memory_space<vmem>>) target_semaphore(%arg13 : memref<!tpu.dma_semaphore, #tpu.memory_space<semaphore_mem>>)
    %dma_start3A_4 = tpu.memref_slice %arg4[%mul3A_2] : memref<1024xi32, #tpu.memory_space<hbm>> -> memref<64xi32, #tpu.memory_space<hbm>>
    %dma_start3A_5 = tpu.memref_slice %arg4[%mul3A_2] : memref<1024xi32, #tpu.memory_space<hbm>> -> memref<64xi32, #tpu.memory_space<hbm>>
    tpu.enqueue_dma source(%dma_start3A_5 : memref<64xi32, #tpu.memory_space<hbm>>) target(%arg8 : memref<64xi32, #tpu.memory_space<vmem>>) target_semaphore(%arg13 : memref<!tpu.dma_semaphore, #tpu.memory_space<semaphore_mem>>)
    %dma_start3A_6 = tpu.memref_slice %arg5[%mul3A_2] : memref<1024xi32, #tpu.memory_space<hbm>> -> memref<64xi32, #tpu.memory_space<hbm>>
    %dma_start3A_7 = tpu.memref_slice %arg5[%mul3A_2] : memref<1024xi32, #tpu.memory_space<hbm>> -> memref<64xi32, #tpu.memory_space<hbm>>
    tpu.enqueue_dma source(%dma_start3A_7 : memref<64xi32, #tpu.memory_space<hbm>>) target(%arg9 : memref<64xi32, #tpu.memory_space<vmem>>) target_semaphore(%arg13 : memref<!tpu.dma_semaphore, #tpu.memory_space<semaphore_mem>>)
    %dma_wait3A = tpu.memref_slice %arg3[%mul3A_2] : memref<1024xi32, #tpu.memory_space<hbm>> -> memref<64xi32, #tpu.memory_space<hbm>>
    %dma_wait3A_8 = tpu.memref_slice %arg3[%mul3A_2] : memref<1024xi32, #tpu.memory_space<hbm>> -> memref<64xi32, #tpu.memory_space<hbm>>
    tpu.wait_dma2 semaphore(%arg13 : memref<!tpu.dma_semaphore, #tpu.memory_space<semaphore_mem>>) src(%dma_wait3A_8 : memref<64xi32, #tpu.memory_space<hbm>>) dst(%arg7 : memref<64xi32, #tpu.memory_space<vmem>>)
    %dma_wait3A_9 = tpu.memref_slice %arg4[%mul3A_2] : memref<1024xi32, #tpu.memory_space<hbm>> -> memref<64xi32, #tpu.memory_space<hbm>>
    %dma_wait3A_10 = tpu.memref_slice %arg4[%mul3A_2] : memref<1024xi32, #tpu.memory_space<hbm>> -> memref<64xi32, #tpu.memory_space<hbm>>
    tpu.wait_dma2 semaphore(%arg13 : memref<!tpu.dma_semaphore, #tpu.memory_space<semaphore_mem>>) src(%dma_wait3A_10 : memref<64xi32, #tpu.memory_space<hbm>>) dst(%arg8 : memref<64xi32, #tpu.memory_space<vmem>>)
    %dma_wait3A_11 = tpu.memref_slice %arg5[%mul3A_2] : memref<1024xi32, #tpu.memory_space<hbm>> -> memref<64xi32, #tpu.memory_space<hbm>>
    %dma_wait3A_12 = tpu.memref_slice %arg5[%mul3A_2] : memref<1024xi32, #tpu.memory_space<hbm>> -> memref<64xi32, #tpu.memory_space<hbm>>
    tpu.wait_dma2 semaphore(%arg13 : memref<!tpu.dma_semaphore, #tpu.memory_space<semaphore_mem>>) src(%dma_wait3A_12 : memref<64xi32, #tpu.memory_space<hbm>>) dst(%arg9 : memref<64xi32, #tpu.memory_space<vmem>>)
    %iota3A = tpu.iota {dimensions = array<i32: 0>} : vector<16xi32>
    %scan3A = arith.constant 0 : i32
    %scan3A_13 = arith.constant 0 : i32
    %scan3A_14 = arith.constant 4 : i32
    %scan3A_15 = arith.addi %scan3A_13, %scan3A_14 : i32
    %scan3A_16 = arith.constant 1 : i32
    %scan3A_17 = scf.for %scan3A_34 = %scan3A_13 to %scan3A_15 step %scan3A_16 iter_args(%scan3A_35 = %scan3A) -> (i32)  : i32 {
      %mul3A_36 = arith.constant 16 : i32
      %mul3A_37 = arith.muli %scan3A_34, %mul3A_36 : i32
      %get3A = arith.index_cast %mul3A_37 : i32 to index
      %get3A_38 = tpu.vector_load %arg7[%get3A] {strides = array<i32>} : memref<64xi32, #tpu.memory_space<vmem>>, vector<16xi32>,
      %swap3A = arith.index_cast %mul3A_37 : i32 to index
      %swap3A_39 = tpu.vector_load %arg10[%swap3A] {strides = array<i32>} : memref<192xi32, #tpu.memory_space<vmem>>, vector<16xi32>,
      tpu.vector_store %arg10[%swap3A], %get3A_38 {strides = array<i32>} : memref<192xi32, #tpu.memory_space<vmem>>, vector<16xi32>,
      %get3A_40 = arith.index_cast %mul3A_37 : i32 to index
      %get3A_41 = tpu.vector_load %arg8[%get3A_40] {strides = array<i32>} : memref<64xi32, #tpu.memory_space<vmem>>, vector<16xi32>,
      %add3A_42 = arith.constant 100000 : i32
      %add3A_43 = vector.broadcast %add3A_42 : i32 to vector<16xi32>
      %add3A_44 = arith.addi %add3A_43, %get3A_41 : vector<16xi32>
      %add3A_45 = arith.constant 64 : i32
      %add3A_46 = arith.addi %add3A_45, %mul3A_37 : i32
      %swap3A_47 = arith.index_cast %add3A_46 : i32 to index
      %swap3A_48 = tpu.vector_load %arg10[%swap3A_47] {strides = array<i32>} : memref<192xi32, #tpu.memory_space<vmem>>, vector<16xi32>,
      tpu.vector_store %arg10[%swap3A_47], %add3A_44 {strides = array<i32>} : memref<192xi32, #tpu.memory_space<vmem>>, vector<16xi32>,
      %get3A_49 = arith.index_cast %mul3A_37 : i32 to index
      %get3A_50 = tpu.vector_load %arg9[%get3A_49] {strides = array<i32>} : memref<64xi32, #tpu.memory_space<vmem>>, vector<16xi32>,
      %add3A_51 = arith.constant 200000 : i32
      %add3A_52 = vector.broadcast %add3A_51 : i32 to vector<16xi32>
      %add3A_53 = arith.addi %add3A_52, %get3A_50 : vector<16xi32>
      %add3A_54 = arith.constant 128 : i32
      %add3A_55 = arith.addi %add3A_54, %mul3A_37 : i32
      %swap3A_56 = arith.index_cast %add3A_55 : i32 to index
      %swap3A_57 = tpu.vector_load %arg10[%swap3A_56] {strides = array<i32>} : memref<192xi32, #tpu.memory_space<vmem>>, vector<16xi32>,
      tpu.vector_store %arg10[%swap3A_56], %add3A_53 {strides = array<i32>} : memref<192xi32, #tpu.memory_space<vmem>>, vector<16xi32>,
      %scan3A_58 = arith.constant 0 : i32
      scf.yield %scan3A_58 : i32
    }
    %scan3A_18 = arith.constant 4 : i32
    %shift_right_arithmetic3A = arith.constant 7 : i32
    %shift_right_arithmetic3A_19 = arith.shrsi %mul3A_2, %shift_right_arithmetic3A : i32
    %shift_left3A = arith.constant 7 : i32
    %shift_left3A_20 = arith.shli %shift_right_arithmetic3A_19, %shift_left3A : i32
    %multiple_of3A = tpu.assume_multiple %shift_left3A_20, 128 : i32
    %dma_start3A_21 = tpu.memref_reshape %arg2 : memref<3x100000x1024xf32, #tpu.memory_space<hbm>> -> memref<300000x1024xf32, #tpu.memory_space<hbm>>
    %dma_start3A_22 = arith.constant 0 : i32
    %dma_start3A_23 = tpu.memref_slice %dma_start3A_21[%dma_start3A_22, %multiple_of3A] : memref<300000x1024xf32, #tpu.memory_space<hbm>> -> memref<300000x128xf32, #tpu.memory_space<hbm>>
    tpu.enqueue_indirect_dma source(%dma_start3A_23 : memref<300000x128xf32, #tpu.memory_space<hbm>>) target(%arg11 : memref<192x128xf32, #tpu.memory_space<vmem>>) offsets(%arg10 : memref<192xi32, #tpu.memory_space<vmem>>) semaphore(%arg14 : memref<!tpu.dma_semaphore, #tpu.memory_space<semaphore_mem>>)
    %dma_wait3A_24 = tpu.memref_reshape %arg2 : memref<3x100000x1024xf32, #tpu.memory_space<hbm>> -> memref<300000x1024xf32, #tpu.memory_space<hbm>>
    %dma_wait3A_25 = arith.constant 0 : i32
    %dma_wait3A_26 = tpu.memref_slice %dma_wait3A_24[%dma_wait3A_25, %multiple_of3A] : memref<300000x1024xf32, #tpu.memory_space<hbm>> -> memref<300000x128xf32, #tpu.memory_space<hbm>>
    tpu.wait_indirect_dma semaphore(%arg14 : memref<!tpu.dma_semaphore, #tpu.memory_space<semaphore_mem>>) src(%dma_wait3A_26 : memref<300000x128xf32, #tpu.memory_space<hbm>>) dst(%arg11 : memref<192x128xf32, #tpu.memory_space<vmem>>)
    %scan3A_27 = arith.constant 0 : i32
    %scan3A_28 = arith.constant 0 : i32
    %scan3A_29 = arith.constant 4 : i32
    %scan3A_30 = arith.addi %scan3A_28, %scan3A_29 : i32
    %scan3A_31 = arith.constant 1 : i32
    %scan3A_32 = scf.for %scan3A_34 = %scan3A_28 to %scan3A_30 step %scan3A_31 iter_args(%scan3A_35 = %scan3A_27) -> (i32)  : i32 {
      %mul3A_36 = arith.constant 16 : i32
      %mul3A_37 = arith.muli %scan3A_34, %mul3A_36 : i32
      %add3A_38 = vector.broadcast %mul3A_37 : i32 to vector<16xi32>
      %add3A_39 = arith.addi %add3A_38, %iota3A : vector<16xi32>
      %and3A = arith.constant 127 : i32
      %and3A_40 = arith.andi %mul3A_2, %and3A : i32
      %add3A_41 = vector.broadcast %and3A_40 : i32 to vector<16xi32>
      %add3A_42 = arith.addi %add3A_41, %add3A_39 : vector<16xi32>
      %get3A = arith.index_cast %mul3A_37 : i32 to index
      %get3A_43 = tpu.vector_load %arg7[%get3A] {strides = array<i32>} : memref<64xi32, #tpu.memory_space<vmem>>, vector<16xi32>,
      %get3A_44 = arith.index_cast %mul3A_37 : i32 to index
      %get3A_45 = tpu.vector_load %arg8[%get3A_44] {strides = array<i32>} : memref<64xi32, #tpu.memory_space<vmem>>, vector<16xi32>,
      %get3A_46 = arith.index_cast %mul3A_37 : i32 to index
      %get3A_47 = tpu.vector_load %arg9[%get3A_46] {strides = array<i32>} : memref<64xi32, #tpu.memory_space<vmem>>, vector<16xi32>,
      %gather3A = tpu.vector_load_idx %arg11[%add3A_39, %add3A_42] : memref<192x128xf32, #tpu.memory_space<vmem>>[vector<16xi32>, vector<16xi32>], vector<16xf32>,
      %add3A_48 = arith.constant 64 : i32
      %add3A_49 = vector.broadcast %add3A_48 : i32 to vector<16xi32>
      %add3A_50 = arith.addi %add3A_49, %add3A_39 : vector<16xi32>
      %gather3A_51 = tpu.vector_load_idx %arg11[%add3A_50, %add3A_42] : memref<192x128xf32, #tpu.memory_space<vmem>>[vector<16xi32>, vector<16xi32>], vector<16xf32>,
      %add3A_52 = arith.constant 128 : i32
      %add3A_53 = vector.broadcast %add3A_52 : i32 to vector<16xi32>
      %add3A_54 = arith.addi %add3A_53, %add3A_39 : vector<16xi32>
      %gather3A_55 = tpu.vector_load_idx %arg11[%add3A_54, %add3A_42] : memref<192x128xf32, #tpu.memory_space<vmem>>[vector<16xi32>, vector<16xi32>], vector<16xf32>,
      %eq3A = arith.constant 0 : i32
      %eq3A_56 = vector.broadcast %eq3A : i32 to vector<16xi32>
      %eq3A_57 = arith.cmpi eq, %get3A_45, %eq3A_56 : vector<16xi32>
      %eq3A_58 = arith.constant 0 : i32
      %eq3A_59 = vector.broadcast %eq3A_58 : i32 to vector<16xi32>
      %eq3A_60 = arith.cmpi eq, %get3A_47, %eq3A_59 : vector<16xi32>
      %jit3A = arith.constant 0.000000e+00 : f32
      %broadcast_in_dim3A = vector.broadcast %jit3A : f32 to vector<16xf32>
      %select_n3A = arith.select %eq3A_57, %broadcast_in_dim3A, %gather3A_51 : vector<16xi1>, vector<16xf32>
      %add3A_61 = arith.constant 9.99999968E-21 : f32
      %add3A_62 = vector.broadcast %add3A_61 : f32 to vector<16xf32>
      %add3A_63 = arith.addf %select_n3A, %add3A_62 : vector<16xf32>
      %jit3A_64 = arith.constant 0.000000e+00 : f32
      %broadcast_in_dim3A_65 = vector.broadcast %jit3A_64 : f32 to vector<16xf32>
      %select_n3A_66 = arith.select %eq3A_60, %broadcast_in_dim3A_65, %gather3A_55 : vector<16xi1>, vector<16xf32>
      %add3A_67 = arith.constant 9.99999968E-21 : f32
      %add3A_68 = vector.broadcast %add3A_67 : f32 to vector<16xf32>
      %add3A_69 = arith.addf %select_n3A_66, %add3A_68 : vector<16xf32>
      %and3A_70 = arith.andi %eq3A_57, %eq3A_60 : vector<16xi1>
      %ne3A = arith.constant 0 : i32
      %ne3A_71 = vector.broadcast %ne3A : i32 to vector<16xi32>
      %ne3A_72 = arith.cmpi ne, %get3A_43, %ne3A_71 : vector<16xi32>
      %or3A = arith.ori %and3A_70, %ne3A_72 : vector<16xi1>
      %add3A_73 = arith.addf %add3A_63, %add3A_69 : vector<16xf32>
      %jit3A_74 = arith.constant 0.000000e+00 : f32
      %broadcast_in_dim3A_75 = vector.broadcast %jit3A_74 : f32 to vector<16xf32>
      %select_n3A_76 = arith.select %or3A, %gather3A, %broadcast_in_dim3A_75 : vector<16xi1>, vector<16xf32>
      %add3A_77 = arith.addf %add3A_73, %select_n3A_76 : vector<16xf32>
      %bitcast_convert_type3A = tpu.bitcast %add3A_77 : vector<16xf32> -> vector<16xi32>
      %shift_right_arithmetic3A_78 = arith.constant 23 : i32
      %shift_right_arithmetic3A_79 = vector.broadcast %shift_right_arithmetic3A_78 : i32 to vector<16xi32>
      %shift_right_arithmetic3A_80 = arith.shrsi %bitcast_convert_type3A, %shift_right_arithmetic3A_79 : vector<16xi32>
      %and3A_81 = arith.constant 255 : i32
      %and3A_82 = vector.broadcast %and3A_81 : i32 to vector<16xi32>
      %and3A_83 = arith.andi %shift_right_arithmetic3A_80, %and3A_82 : vector<16xi32>
      %sub3A = arith.constant 127 : i32
      %sub3A_84 = vector.broadcast %sub3A : i32 to vector<16xi32>
      %sub3A_85 = arith.subi %and3A_83, %sub3A_84 : vector<16xi32>
      %and3A_86 = arith.constant 8388607 : i32
      %and3A_87 = vector.broadcast %and3A_86 : i32 to vector<16xi32>
      %and3A_88 = arith.andi %bitcast_convert_type3A, %and3A_87 : vector<16xi32>
      %or3A_89 = arith.constant 1065353216 : i32
      %or3A_90 = vector.broadcast %or3A_89 : i32 to vector<16xi32>
      %or3A_91 = arith.ori %and3A_88, %or3A_90 : vector<16xi32>
      %bitcast_convert_type3A_92 = tpu.bitcast %or3A_91 : vector<16xi32> -> vector<16xf32>
      %ge3A = arith.constant 1.41421354 : f32
      %ge3A_93 = vector.broadcast %ge3A : f32 to vector<16xf32>
      %ge3A_94 = arith.cmpf oge, %bitcast_convert_type3A_92, %ge3A_93 : vector<16xf32>
      %mul3A_95 = arith.constant 5.000000e-01 : f32
      %mul3A_96 = vector.broadcast %mul3A_95 : f32 to vector<16xf32>
      %mul3A_97 = arith.mulf %bitcast_convert_type3A_92, %mul3A_96 : vector<16xf32>
      %select_n3A_98 = arith.select %ge3A_94, %mul3A_97, %bitcast_convert_type3A_92 : vector<16xi1>, vector<16xf32>
      %add3A_99 = arith.constant 1 : i32
      %add3A_100 = vector.broadcast %add3A_99 : i32 to vector<16xi32>
      %add3A_101 = arith.addi %sub3A_85, %add3A_100 : vector<16xi32>
      %select_n3A_102 = arith.select %ge3A_94, %add3A_101, %sub3A_85 : vector<16xi1>, vector<16xi32>
      %sub3A_103 = arith.constant 1.000000e+00 : f32
      %sub3A_104 = vector.broadcast %sub3A_103 : f32 to vector<16xf32>
      %sub3A_105 = arith.subf %select_n3A_98, %sub3A_104 : vector<16xf32>
      %add3A_106 = arith.constant 1.000000e+00 : f32
      %add3A_107 = vector.broadcast %add3A_106 : f32 to vector<16xf32>
      %add3A_108 = arith.addf %select_n3A_98, %add3A_107 : vector<16xf32>
      %div3A = arith.divf %sub3A_105, %add3A_108 : vector<16xf32>
      %mul3A_109 = arith.mulf %div3A, %div3A : vector<16xf32>
      %mul3A_110 = arith.constant 2.000000e+00 : f32
      %mul3A_111 = vector.broadcast %mul3A_110 : f32 to vector<16xf32>
      %mul3A_112 = arith.mulf %mul3A_111, %div3A : vector<16xf32>
      %mul3A_113 = arith.constant 0.142857149 : f32
      %mul3A_114 = vector.broadcast %mul3A_113 : f32 to vector<16xf32>
      %mul3A_115 = arith.mulf %mul3A_109, %mul3A_114 : vector<16xf32>
      %add3A_116 = arith.constant 2.000000e-01 : f32
      %add3A_117 = vector.broadcast %add3A_116 : f32 to vector<16xf32>
      %add3A_118 = arith.addf %add3A_117, %mul3A_115 : vector<16xf32>
      %mul3A_119 = arith.mulf %mul3A_109, %add3A_118 : vector<16xf32>
      %add3A_120 = arith.constant 0.333333343 : f32
      %add3A_121 = vector.broadcast %add3A_120 : f32 to vector<16xf32>
      %add3A_122 = arith.addf %add3A_121, %mul3A_119 : vector<16xf32>
      %mul3A_123 = arith.mulf %mul3A_109, %add3A_122 : vector<16xf32>
      %add3A_124 = arith.constant 1.000000e+00 : f32
      %add3A_125 = vector.broadcast %add3A_124 : f32 to vector<16xf32>
      %add3A_126 = arith.addf %add3A_125, %mul3A_123 : vector<16xf32>
      %mul3A_127 = arith.mulf %mul3A_112, %add3A_126 : vector<16xf32>
      %convert_element_type3A = arith.sitofp %select_n3A_102 : vector<16xi32> to vector<16xf32>
      %mul3A_128 = arith.constant 0.693147182 : f32
      %mul3A_129 = vector.broadcast %mul3A_128 : f32 to vector<16xf32>
      %mul3A_130 = arith.mulf %convert_element_type3A, %mul3A_129 : vector<16xf32>
      %add3A_131 = arith.addf %mul3A_130, %mul3A_127 : vector<16xf32>
      %neg3A = arith.constant 0.000000e+00 : f32
      %neg3A_132 = vector.broadcast %neg3A : f32 to vector<16xf32>
      %neg3A_133 = arith.subf %neg3A_132, %add3A_131 : vector<16xf32>
      %eq3A_134 = arith.constant -100 : i32
      %eq3A_135 = vector.broadcast %eq3A_134 : i32 to vector<16xi32>
      %eq3A_136 = arith.cmpi eq, %get3A_43, %eq3A_135 : vector<16xi32>
      %jit3A_137 = arith.constant 0.000000e+00 : f32
      %broadcast_in_dim3A_138 = vector.broadcast %jit3A_137 : f32 to vector<16xf32>
      %select_n3A_139 = arith.select %eq3A_136, %broadcast_in_dim3A_138, %neg3A_133 : vector<16xi1>, vector<16xf32>
      %swap3A = arith.index_cast %mul3A_37 : i32 to index
      %swap3A_140 = tpu.vector_load %arg12[%swap3A] {strides = array<i32>} : memref<64xf32, #tpu.memory_space<vmem>>, vector<16xf32>,
      tpu.vector_store %arg12[%swap3A], %select_n3A_139 {strides = array<i32>} : memref<64xf32, #tpu.memory_space<vmem>>, vector<16xf32>,
      %scan3A_141 = arith.constant 0 : i32
      scf.yield %scan3A_141 : i32
    }
    %scan3A_33 = arith.constant 4 : i32
    "tpu.region"() ({
      %run_scoped3A = tpu.sem_alloc : memref<!tpu.dma_semaphore, #tpu.memory_space<semaphore_mem>>
      %dma_start3A_34 = tpu.memref_slice %arg6[%mul3A_2] : memref<1024xf32, #tpu.memory_space<hbm>> -> memref<64xf32, #tpu.memory_space<hbm>>
      %dma_start3A_35 = tpu.memref_slice %arg6[%mul3A_2] : memref<1024xf32, #tpu.memory_space<hbm>> -> memref<64xf32, #tpu.memory_space<hbm>>
      tpu.enqueue_dma source(%arg12 : memref<64xf32, #tpu.memory_space<vmem>>) target(%dma_start3A_35 : memref<64xf32, #tpu.memory_space<hbm>>) target_semaphore(%run_scoped3A : memref<!tpu.dma_semaphore, #tpu.memory_space<semaphore_mem>>)
      %dma_wait3A_36 = tpu.memref_slice %arg6[%mul3A_2] : memref<1024xf32, #tpu.memory_space<hbm>> -> memref<64xf32, #tpu.memory_space<hbm>>
      %dma_wait3A_37 = tpu.memref_slice %arg6[%mul3A_2] : memref<1024xf32, #tpu.memory_space<hbm>> -> memref<64xf32, #tpu.memory_space<hbm>>
      tpu.wait_dma2 semaphore(%run_scoped3A : memref<!tpu.dma_semaphore, #tpu.memory_space<semaphore_mem>>) src(%arg12 : memref<64xf32, #tpu.memory_space<vmem>>) dst(%dma_wait3A_37 : memref<64xf32, #tpu.memory_space<hbm>>)
      tpu.yield
    }) : () -> ()
    return
  }
}

</mosaic_0001>

<sc_bundles>
// kernel: kernel.3.cloned.1.call-start
scs
__scs_entry_jumppad:
0x0: {  	(pc) =	sbr.rel $0x88, $3  }
0x1: {  	(tag) =	ssettag $0x0;
	lr =	simm.s32 $0x1  }
0x2: {  	[smem:$0x3F9D] =	sst lr;
	_ =	strace $0xD0000000  }
0x3: {  	_ = 	snop  }
0x4: {  	_ = 	snop  }
0x5: {  	_ = 	snop  }
0x6: {  	_ = 	snop  }
0x7: {  	_ = 	snop  }
__scs_overlays_trampoline_lowered:
0x8: {  	[smem:$0x3FAC] =	sst s0  }
0x9: {  	[smem:$0x3FAD] =	sst s1  }
0xa: {  	[smem:$0x3FAE] =	sst s2  }
0xb: {  	[smem:$0x3FAF] =	sst s3  }
0xc: {  	[smem:$0x3FB0] =	sst s4  }
0xd: {  	[smem:$0x3FB1] =	sst s5  }
0xe: {  	[smem:$0x3FB2] =	sst s6  }
0xf: {  	[smem:$0x3FB3] =	sst s7  }
0x10: {  	[smem:$0x3FB4] =	sst s8  }
0x11: {  	[smem:$0x3FB5] =	sst s9;
	s0 =	simm.s32 @!p0 $0x0  }
0x12: {  	s1 =	sld [smem:$0x3F9B];
	s0 =	simm.s32 @p0 $0x1  }
0x13: {  	[smem:$0x3FB6] =	sst s0;
	s0 =	simm.s32 @!p1 $0x0  }
0x14: {  	s2 =	sld [smem:$0x3F9A];
	s0 =	simm.s32 @p1 $0x1  }
0x15: {  	[smem:$0x3FB7] =	sst s0;
	s0 =	simm.s32 @!p2 $0x0  }
0x16: {  	s3 =	sld [smem:$0x3FDB];
	s0 =	simm.s32 @p2 $0x1  }
0x17: {  	s4 =	simm.s32 $0x1BF5;
	[smem:$0x3FB9] =	sst s0  }
0x18: {  	s0 =	sld [smem:$0x3F9C];
	_ =	swait.ge [sflag:s4], $0x0  }
0x19: {  	s7 =	sld [smem:$0x3F9D]  }
0x1a: {  	s8 =	sadd.s32 $0xFFFFE003, lr  }
0x1b: {  	s9 =	sadd.s32 $0xFFFFFEF7, lr;
	s5 =	simm.s32 $0xFFFFFFFF;
	p2 =	slt.u32 s8, $0xFFFFF086  }
0x1c: {  	p1 =	slt.u32 s9, $0xF7A;
	s5 =	simm.s32 @!p2 $0x0  }
0x1d: {  	s5 =	simm.s32 @p1 $0x1;
	p0 =	seq.s32 s7, s2  }
0x1e: {  	s7 =	smul.u32 @!p0 $0xF7A, s2;
	p2 =	seq.s32 @!p0 s5, $0x0  }
0x1f: {  	s9 =	smul.u32 $0xF7A, s1;
	s8 =	simm.s32 @!p0 $0x1BF5;
	p2 =	por !p2, p0  }
0x20: {  	[sflag:s8] =	ssyncset.s32 @!p0 $0xFFFFF086;
	s6 =	sadd.s32 @!p0 s3, s7;
	s7 =	simm.s32 @!p0 $0x108  }
0x21: {  	s3 =	sadd.s32 s3, s9;
	s6 =	sadd.s32 @!p0 $0x88, s6;
	s7 =	simm.s32 @p2 $0x1082  }
0x22: {  	[simem:s7], [sflag:s8] =	dma.local @!p0 [hbm:s6], $0xF7A  }
0x23: {  	s9 =	sor.u32 $0xD0000000, s2;
	s6 =	simm.s32 $0x108;
	_ =	swait.ge @!p0 [sflag:s8], $0x0  }
0x24: {  	s3 =	sadd.s32 $0x88, s3;
	s6 =	simm.s32 @!p1 $0x1082;
	[sflag:s4] =	ssyncset.s32 $0xFFFFF086  }
0x25: {  	[simem:s6], [sflag:s4] =	dma.local [hbm:s3], $0xF7A  }
0x26: {  	[smem:$0x3F9D] =	sst s1;
	(tag) =	ssettag s2;
	_ =	strace s9  }
0x27: {  	s1 =	sld [smem:$0x3FAD]  }
0x28: {  	s2 =	sld [smem:$0x3FAE]  }
0x29: {  	s4 =	sld [smem:$0x3FB0]  }
0x2a: {  	p0 =	seq.s32 s5, $0x0;
	s5 =	sld [smem:$0x3FB1]  }
0x2b: {  	s6 =	sld [smem:$0x3FB2]  }
0x2c: {  	s7 =	sld [smem:$0x3FB3]  }
0x2d: {  	s3 =	simm.s32 $0x108;
	s8 =	sld [smem:$0x3FB4]  }
0x2e: {  	s3 =	simm.s32 @!p0 $0x1082;
	s9 =	sld [smem:$0x3FB5]  }
0x2f: {  	lr =	sadd.s32 s0, s3;
	s0 =	sld [smem:$0x3FAC]  }
0x30: {  	s3 =	sld [smem:$0x3FAF]  }
0x31: {  	[smem:$0x3FB8] =	sst s10  }
0x32: {  	s10 =	sld [smem:$0x3FB6];
	_ =	sdelay $0x3  }
0x33: {  	p0 =	seq.s32 s10, $0x1;
	s10 =	sld [smem:$0x3FB8];
	_ =	sdelay $0x3  }
0x34: {  	[smem:$0x3FB8] =	sst s10  }
0x35: {  	s10 =	sld [smem:$0x3FB7];
	_ =	sdelay $0x3  }
0x36: {  	p1 =	seq.s32 s10, $0x1;
	s10 =	sld [smem:$0x3FB8];
	_ =	sdelay $0x3  }
0x37: {  	[smem:$0x3FB8] =	sst s10  }
0x38: {  	s10 =	sld [smem:$0x3FB9]  }
0x39: {  	_ = 	snop;
	(pc) =	sbr.ind lr, $3  }
0x3a: {  	_ = 	snop  }
0x3b: {  	_ = 	snop  }
0x3c: {  	p2 =	seq.s32 s10, $0x1;
	s10 =	sld [smem:$0x3FB8]  }
0x3d: {  	_ =	shalt  }
0x3e: {  	_ =	shalt  }
0x3f: {  	_ =	shalt  }
0x40: {  	_ =	shalt  }
0x41: {  	_ =	shalt  }
0x42: {  	_ =	shalt  }
0x43: {  	_ =	shalt  }
0x44: {  	_ =	shalt  }
0x45: {  	_ =	shalt  }
0x46: {  	_ =	shalt  }
0x47: {  	_ =	shalt  }
0x48: {  	_ =	shalt  }
0x49: {  	_ =	shalt  }
0x4a: {  	_ =	shalt  }
0x4b: {  	_ =	shalt  }
0x4c: {  	_ =	shalt  }
0x4d: {  	_ =	shalt  }
0x4e: {  	_ =	shalt  }
0x4f: {  	_ =	shalt  }
0x50: {  	_ =	shalt  }
0x51: {  	_ =	shalt  }
0x52: {  	_ =	shalt  }
0x53: {  	_ =	shalt  }
0x54: {  	_ =	shalt  }
0x55: {  	_ =	shalt  }
0x56: {  	_ =	shalt  }
0x57: {  	_ =	shalt  }
0x58: {  	_ =	shalt  }
0x59: {  	_ =	shalt  }
0x5a: {  	_ =	shalt  }
0x5b: {  	_ =	shalt  }
0x5c: {  	_ =	shalt  }
0x5d: {  	_ =	shalt  }
0x5e: {  	_ =	shalt  }
0x5f: {  	_ =	shalt  }
0x60: {  	_ =	shalt  }
0x61: {  	_ =	shalt  }
0x62: {  	_ =	shalt  }
0x63: {  	_ =	shalt  }
0x64: {  	_ =	shalt  }
0x65: {  	_ =	shalt  }
0x66: {  	_ =	shalt  }
0x67: {  	_ =	shalt  }
0x68: {  	_ =	shalt  }
0x69: {  	_ =	shalt  }
0x6a: {  	_ =	shalt  }
0x6b: {  	_ =	shalt  }
0x6c: {  	_ =	shalt  }
0x6d: {  	_ =	shalt  }
0x6e: {  	_ =	shalt  }
0x6f: {  	_ =	shalt  }
0x70: {  	_ =	shalt  }
0x71: {  	_ =	shalt  }
0x72: {  	_ =	shalt  }
0x73: {  	_ =	shalt  }
0x74: {  	_ =	shalt  }
0x75: {  	_ =	shalt  }
0x76: {  	_ =	shalt  }
0x77: {  	_ =	shalt  }
0x78: {  	_ =	shalt  }
0x79: {  	_ =	shalt  }
0x7a: {  	_ =	shalt  }
0x7b: {  	_ =	shalt  }
0x7c: {  	_ =	shalt  }
0x7d: {  	_ =	shalt  }
0x7e: {  	_ =	shalt  }
0x7f: {  	_ =	shalt  }
0x80: {  	_ =	shalt  }
0x81: {  	_ =	shalt  }
0x82: {  	_ =	shalt  }
0x83: {  	_ =	shalt  }
0x84: {  	_ =	shalt  }
0x85: {  	_ =	shalt  }
0x86: {  	_ =	shalt  }
0x87: {  	_ =	shalt  }
.Lfunc_end0:
.L_simem_size_0:
called_computation_lowered:
.L_overlay_start_0:
0x88: {  	s0 =	sld [smem:$0x3FD9]  }
0x89: {  	s1 =	sld [smem:$0x3FFE];
	_ =	sdelay $0x3  }
0x8a: {  	s0 =	sadd.s32 s1, s0  }
0x8b: {  	[smem:$0x3FC4] =	sst s0  }
0x8c: {  	_ = 	snop  }
0x8d: {  	s0 =	sld [smem:$0x3FC9]  }
0x8e: {  	s17 =	sld [smem:$0x3FC8]  }
0x8f: {  	s2 =	sld [smem:$0x3FC7]  }
0x90: {  	s3 =	sld [smem:$0x3FC6]  }
0x91: {  	s4 =	sld [smem:$0x3FD0];
	(tm) =	ssettm $0x1  }
0x92: {  	s5 =	sld [smem:$0x3FFB];
	_ =	sdelay $0x3  }
0x93: {  	_ =	strace s5  }
0x94: {  	s5 =	sld [smem:$0x3FFC];
	_ =	sdelay $0x3  }
0x95: {  	_ =	strace s5  }
0x96: {  	s5 =	sld [smem:$0x3FFD];
	_ =	sdelay $0x3  }
0x97: {  	_ =	strace s5  }
0x98: {  	_ =	strace $0x8FFFFFFF  }
0x99: {  	s18 =	sld [smem:$0x3FDB];
	_ =	sdelay $0x1  }
0x9a: {  	s6 =	simm.s32 $_scs_section_size  }
0x9b: {  	s7 =	simm.s32 $_size__tile_overlayer_lowered;
	s8 =	simm.s32 $_tile_overlayer_lowered  }
0x9c: {  	s21 =	simm.s32 $0x1BFF;
	s20 =	sshll.u32 s8, $0x1;
	s5 =	sadd.s32 s6, s18  }
0x9d: {  	s9 =	simm.s32 $0x0;
	s19 =	sshll.u32 s7, $0x1;
	s7 =	sadd.s32 s20, s5  }
0x9e: {  	[timem:s9], [sflag:s21] =	dma.local [hbm:s7], s19  }
0x9f: {  	_ =	swait.ge [sflag:s21], s19  }
0xa0: {  	s6 =	ssub.s32 $0x0, s19;
	[sflag:s21] =	ssyncset.done $0x0  }
0xa1: {  	[sflag:s21] =	ssyncadd.s32 s6;
	_ =	sdelay $0x1  }
0xa2: {  	s22 =	simm.s32 $0x1B8B  }
0xa3: {  	_ =	swait.ge [sflag:s22], $0x1  }
0xa4: {  	[sflag:s22] =	ssyncset.done $0x0  }
0xa5: {  	s23 =	simm.s32 $0x1B8E;
	[sflag:s22] =	ssyncadd.s32 $0xFFFFFFFF  }
0xa6: {  	s24 =	simm.s32 $execute0_lowered;
	[smem:$0x3FD2] =	sst s23  }
0xa7: {  	s6 =	sshll.u32 s24, $0x1;
	_ =	strace $0x80000046;
	[dreg:$0x1] =	wrdreg $0xFFFFFFFF  }
0xa8: {  	s25 =	simm.s32 $_size_execute0_lowered;
	s5 =	sadd.s32 s5, s6;
	[dreg:$0x0] =	wrdreg $0x0  }
0xa9: {  	s6 =	sshll.u32 s25, $0x1;
	[dreg:$0x2] =	wrdreg s5  }
0xaa: {  	[dreg:$0x3] =	wrdreg s6  }
0xab: {  	[dreg:$0x4] =	wrdreg $0xC0  }
0xac: {  	_ =	task [dreg:s9], $0x5FFFF  }
0xad: {  	[dreg:$0x1] =	wrdreg $0xFFFFFFFF  }
0xae: {  	[dreg:$0x0] =	wrdreg $0x60  }
0xaf: {  	[dreg:$0x2] =	wrdreg s0  }
0xb0: {  	[dreg:$0x3] =	wrdreg s3  }
0xb1: {  	[dreg:$0x4] =	wrdreg s17  }
0xb2: {  	[dreg:$0x5] =	wrdreg s2  }
0xb3: {  	[dreg:$0x6] =	wrdreg s4  }
0xb4: {  	[dreg:$0x7] =	wrdreg $0x9  }
0xb5: {  	_ =	task.clear_ibuf [dreg:s9], $0x8FFFF;
	_ =	strace $0x90000046  }
0xb6: {  	s26 =	simm.s32 $0x9;
	_ =	strace $0x80000048  }
0xb7: {  	_ =	swait.ge [sflag:s26], $0x1  }
0xb8: {  	[sflag:s26] =	ssyncadd.s32 $0xFFFFFFFF  }
0xb9: {  	_ =	strace $0x90000048  }
0xba: {  	_ =	sfence  }
0xbb: {  	s28 =	sld [smem:$0x0];
	_ =	sdelay $0x1  }
0xbc: {  	s29 =	srdreg.scid  }
0xbd: {  	s30 =	sshll.u32 s29, $0xD;
	s31 =	sshrl.u32 s29, $0x2  }
0xbe: {  	s1 =	sand.u32 $0x1, s29;
	s2 =	sand.u32 $0x4000, s30;
	s0 =	sadd.s32 s31, s28  }
0xbf: {  	s1 =	sor.u32 s2, s1;
	s0 =	sshll.u32 s0, $0x11  }
0xc0: {  	s0 =	sor.u32 s0, s1  }
0xc1: {  	s0 =	sadd.s32 $0x8F2B, s0  }
0xc2: {  	[sflag:s0] =	ssyncadd.remote.s32 $0x1  }
0xc3: {  	_ =	sfence.sel $0xFFFF  }
0xc4: {  	[dreg:$0x0] =	wrdreg $0xFFFFFFFF;
	(pc) =	sbr.abs _section_cstart, $3  }
0xc5: {  	[dreg:$0x1] =	wrdreg $0xFFFFFFFF  }
0xc6: {  	_ =	task.clear_ibuf [dreg:s9], $0x2FFFF;
	_ =	strace $0x9FFFFFFF  }
0xc7: {  	(tm) =	ssettm $0x7FFFFFFF  }
tec
execute0_lowered:
.L_overlay_start_1:
0x0: {  	(tag) =	ssettag $0x1  }
0x1: {  	s6 =	rddreg [dreg:$0x0]  }
0x2: {  	s5 =	rddreg [dreg:$0x1]  }
0x3: {  	s7 =	rddreg [dreg:$0x2]  }
0x4: {  	s8 =	rddreg [dreg:$0x3]  }
0x5: {  	s2 =	rddreg [dreg:$0x4];
	s4 =	simm.s32 $0x0;
	s1 =	stileid.u32  }
0x6: {  	[smem:$0x7FF] =	sst s4;
	s3 =	sshll.u32 s1, $0x3  }
0x7: {  	s0 =	rddreg [dreg:$0x5];
	_ =	strace $0x80000047;
	s5 =	sadd.s32 s5, s3  }
0x8: {  	[tilespmem:s4], [sflag:$0x1] =	stream.linear.gather [hbm4b:s5+s4], $0x40, $0x38;
	[tilespmem:$0x6300] =	vst v63  }
0x9: {  	s7 =	sadd.s32 s7, s3;
	s5 =	simm.s32 $0x80  }
0xa: {  	[tilespmem:s5], [sflag:$0x1] =	stream.linear.gather [hbm4b:s7+s4], $0x40, $0x38;
	[tilespmem:$0x6300] =	vst v63  }
0xb: {  	s17 =	simm.s32 $0x1;
	s8 =	sadd.s32 s8, s3;
	s7 =	simm.s32 $0x100  }
0xc: {  	[tilespmem:s7], [sflag:$0x1] =	stream.linear.gather [hbm4b:s8+s4], $0x40, $0x38;
	[tilespmem:$0x6300] =	vst v63  }
0xd: {  	_ =	swait.ge [sflag:s17], $0x40  }
0xe: {  	[sflag:s17] =	ssyncset.done $0x0  }
0xf: {  	[sflag:s17] =	ssyncadd.s32 $0xFFFFFFC0  }
0x10: {  	_ =	swait.ge [sflag:s17], $0x40  }
0x11: {  	[sflag:s17] =	ssyncset.done $0x0  }
0x12: {  	[sflag:s17] =	ssyncadd.s32 $0xFFFFFFC0  }
0x13: {  	_ =	swait.ge [sflag:s17], $0x40  }
0x14: {  	[sflag:s17] =	ssyncset.done $0x0  }
0x15: {  	[sflag:s17] =	ssyncadd.s32 $0xFFFFFFC0  }
0x16: {  	v0 =	vld [tilespmem:$0x0];
	_ =	sdelay $0x1  }
0x17: {  	v1 =	vld [tilespmem:$0x80]  }
0x18: {  	v2 =	vld [tilespmem:$0x100]  }
0x19: {  	v3 =	vld [tilespmem:$0x10]  }
0x1a: {  	v5 =	vld [tilespmem:$0x110];
	[tilespmem:$0x180] =	vst v0  }
0x1b: {  	v4 =	vld [tilespmem:$0x180]  }
0x1c: {  	v0 =	vld [tilespmem:$0x90];
	_ =	sdelay $0x1  }
0x1d: {  	v6 =	vld [tilespmem:$0x20];
	v1 =	vadd.s32 $0x186A0, v1;
	[tilespmem:$0x190] =	vst v3  }
0x1e: {  	v7 =	vld [tilespmem:$0xA0];
	[tilespmem:$0x1C0] =	vst v1;
	v1 =	vadd.s32 $0x30D40, v2  }
0x1f: {  	v8 =	vld [tilespmem:$0x120];
	v3 =	vadd.s32 $0x30D40, v5;
	[tilespmem:$0x200] =	vst v1;
	v1 =	vshll.u32 v4, $0x3  }
0x20: {  	v9 =	vld [tilespmem:$0xB0];
	v0 =	vadd.s32 $0x186A0, v0;
	v2 =	vand.u32 $0x7, v4;
	v1 =	vand.u32 $0xFFFFFFC0, v1  }
0x21: {  	v5 =	vld [tilespmem:$0x30];
	[tilespmem:$0x1D0] =	vst v0;
	v0 =	vlaneseq.u32;
	v18 =	vor.u32 v2, v1;
	v2 =	vimm.s32 $0x0  }
0x22: {  	v10 =	vld [tilespmem:$0x130];
	[tilespmem:$0x1A0] =	vst v6;
	v1 =	vmul.u32 $0x8, v0;
	v4 =	vperm.xlane v18, v2  }
0x23: {  	v6 =	vadd.s32 $0x186A0, v7;
	[tilespmem:$0x210] =	vst v3;
	v3 =	vimm.s32 $0x1  }
0x24: {  	[tilespmem:$0x1E0] =	vst v6;
	v6 =	vadd.s32 $0x30D40, v8;
	v8 =	vperm.xlane v18, v3;
	v7 =	vadd.s32 v1, v4  }
0x25: {  	[tilespmem:$0x220] =	vst v6;
	v4 =	vimm.s32 $0x2  }
0x26: {  	s9 =	sshll.u32 s1, $0x6;
	[tilespmem:$0x1B0] =	vst v5;
	v5 =	vadd.s32 $0x186A0, v9;
	v8 =	vadd.s32 v1, v8;
	v6 =	vperm.xlane v18, v4  }
0x27: {  	s18 =	sand.u32 $0x380, s9;
	v9 =	vadd.s32 $0x30D40, v10;
	[tilespmem:$0x1F0] =	vst v5;
	v5 =	vimm.s32 $0x3  }
0x28: {  	vm0 =	vmmov $0x1;
	s8 =	sadd.s32 s6, s18;
	s6 =	simm.s32 $0x280;
	[tilespmem:$0x230] =	vst v9;
	v10 =	vperm.xlane v18, v5;
	v9 =	vadd.s32 v1, v6  }
0x29: {  	v6 =	vimm.s32 $0x4;
	[tilespmem:s6], [sflag:$0x2] =	stream.indirect_vreg.gather [hbm4b:s8+s4], $0x80, v7, vm0, $0xb8;
	[tilespmem:$0x6300] =	vst v63  }
0x2a: {  	s10 =	simm.s32 $0x300;
	v10 =	vadd.s32 v1, v10;
	v11 =	vperm.xlane v18, v6  }
0x2b: {  	v7 =	vimm.s32 $0x5;
	[tilespmem:s10], [sflag:$0x2] =	stream.indirect_vreg.gather [hbm4b:s8+s4], $0x80, v8, vm0, $0xb8;
	[tilespmem:$0x6300] =	vst v63  }
0x2c: {  	s19 =	simm.s32 $0x380;
	v11 =	vadd.s32 v1, v11;
	v8 =	vperm.xlane v18, v7  }
0x2d: {  	[tilespmem:s19], [sflag:$0x2] =	stream.indirect_vreg.gather [hbm4b:s8+s4], $0x80, v9, vm0, $0xb8;
	v9 =	vimm.s32 $0x6;
	[tilespmem:$0x6300] =	vst v63  }
0x2e: {  	s20 =	simm.s32 $0x400;
	v12 =	vadd.s32 v1, v8;
	v13 =	vperm.xlane v18, v9  }
0x2f: {  	v8 =	vimm.s32 $0x7;
	[tilespmem:s20], [sflag:$0x2] =	stream.indirect_vreg.gather [hbm4b:s8+s4], $0x80, v10, vm0, $0xb8;
	[tilespmem:$0x6300] =	vst v63  }
0x30: {  	s21 =	simm.s32 $0x480;
	v14 =	vperm.xlane v18, v8;
	v13 =	vadd.s32 v1, v13  }
0x31: {  	v10 =	vimm.s32 $0x8;
	[tilespmem:s21], [sflag:$0x2] =	stream.indirect_vreg.gather [hbm4b:s8+s4], $0x80, v11, vm0, $0xb8;
	[tilespmem:$0x6300] =	vst v63  }
0x32: {  	s22 =	simm.s32 $0x500;
	v14 =	vadd.s32 v1, v14;
	v15 =	vperm.xlane v18, v10  }
0x33: {  	v11 =	vimm.s32 $0x9;
	[tilespmem:s22], [sflag:$0x2] =	stream.indirect_vreg.gather [hbm4b:s8+s4], $0x80, v12, vm0, $0xb8;
	[tilespmem:$0x6300] =	vst v63  }
0x34: {  	s23 =	simm.s32 $0x580;
	v15 =	vadd.s32 v1, v15;
	v16 =	vperm.xlane v18, v11  }
0x35: {  	v12 =	vimm.s32 $0xA;
	[tilespmem:s23], [sflag:$0x2] =	stream.indirect_vreg.gather [hbm4b:s8+s4], $0x80, v13, vm0, $0xb8;
	[tilespmem:$0x6300] =	vst v63  }
0x36: {  	s24 =	simm.s32 $0x600;
	v16 =	vadd.s32 v1, v16;
	v17 =	vperm.xlane v18, v12  }
0x37: {  	v13 =	vimm.s32 $0xB;
	[tilespmem:s24], [sflag:$0x2] =	stream.indirect_vreg.gather [hbm4b:s8+s4], $0x80, v14, vm0, $0xb8;
	[tilespmem:$0x6300] =	vst v63  }
0x38: {  	s25 =	simm.s32 $0x680;
	v17 =	vadd.s32 v1, v17;
	v19 =	vperm.xlane v18, v13  }
0x39: {  	v14 =	vimm.s32 $0xC;
	[tilespmem:s25], [sflag:$0x2] =	stream.indirect_vreg.gather [hbm4b:s8+s4], $0x80, v15, vm0, $0xb8;
	[tilespmem:$0x6300] =	vst v63  }
0x3a: {  	s26 =	simm.s32 $0x700;
	v19 =	vadd.s32 v1, v19;
	v20 =	vperm.xlane v18, v14  }
0x3b: {  	v15 =	vimm.s32 $0xD;
	[tilespmem:s26], [sflag:$0x2] =	stream.indirect_vreg.gather [hbm4b:s8+s4], $0x80, v16, vm0, $0xb8;
	[tilespmem:$0x6300] =	vst v63  }
0x3c: {  	s28 =	simm.s32 $0x780;
	v20 =	vadd.s32 v1, v20;
	v21 =	vperm.xlane v18, v15  }
0x3d: {  	v16 =	vimm.s32 $0xE;
	[tilespmem:s28], [sflag:$0x2] =	stream.indirect_vreg.gather [hbm4b:s8+s4], $0x80, v17, vm0, $0xb8;
	[tilespmem:$0x6300] =	vst v63  }
0x3e: {  	s29 =	simm.s32 $0x800;
	v21 =	vadd.s32 v1, v21;
	v22 =	vperm.xlane v18, v16  }
0x3f: {  	v17 =	vimm.s32 $0xF;
	[tilespmem:s29], [sflag:$0x2] =	stream.indirect_vreg.gather [hbm4b:s8+s4], $0x80, v19, vm0, $0xb8;
	[tilespmem:$0x6300] =	vst v63  }
0x40: {  	s30 =	simm.s32 $0x880;
	v32 =	vadd.s32 v1, v22;
	v18 =	vperm.xlane v18, v17  }
0x41: {  	[tilespmem:s30], [sflag:$0x2] =	stream.indirect_vreg.gather [hbm4b:s8+s4], $0x80, v20, vm0, $0xb8;
	[tilespmem:$0x6300] =	vst v63  }
0x42: {  	s31 =	simm.s32 $0x900;
	v18 =	vadd.s32 v1, v18  }
0x43: {  	[tilespmem:s31], [sflag:$0x2] =	stream.indirect_vreg.gather [hbm4b:s8+s4], $0x80, v21, vm0, $0xb8;
	[tilespmem:$0x6300] =	vst v63  }
0x44: {  	s11 =	simm.s32 $0x980  }
0x45: {  	[tilespmem:s11], [sflag:$0x2] =	stream.indirect_vreg.gather [hbm4b:s8+s4], $0x80, v32, vm0, $0xb8;
	[tilespmem:$0x6300] =	vst v63  }
0x46: {  	s12 =	simm.s32 $0xA00  }
0x47: {  	[tilespmem:s12], [sflag:$0x2] =	stream.indirect_vreg.gather [hbm4b:s8+s4], $0x80, v18, vm0, $0xb8;
	[tilespmem:$0x6300] =	vst v63  }
0x48: {  	v18 =	vld [tilespmem:$0x190];
	_ =	sdelay $0x4  }
0x49: {  	v33 =	vshll.u32 v18, $0x3  }
0x4a: {  	v18 =	vand.u32 $0x7, v18;
	v19 =	vand.u32 $0xFFFFFFC0, v33  }
0x4b: {  	v18 =	vor.u32 v18, v19  }
0x4c: {  	v19 =	vperm.xlane v18, v2;
	_ =	sdelay $0x1  }
0x4d: {  	v34 =	vperm.xlane v18, v3;
	v19 =	vadd.s32 v1, v19;
	_ =	sdelay $0x1  }
0x4e: {  	v35 =	vperm.xlane v18, v4;
	v20 =	vadd.s32 v1, v34;
	_ =	sdelay $0x1  }
0x4f: {  	s13 =	simm.s32 $0xA80;
	v36 =	vperm.xlane v18, v5;
	v21 =	vadd.s32 v1, v35  }
0x50: {  	[tilespmem:s13], [sflag:$0x2] =	stream.indirect_vreg.gather [hbm4b:s8+s4], $0x80, v19, vm0, $0xb8;
	[tilespmem:$0x6300] =	vst v63  }
0x51: {  	s14 =	simm.s32 $0xB00;
	v38 =	vperm.xlane v18, v6;
	v37 =	vadd.s32 v1, v36  }
0x52: {  	[tilespmem:s14], [sflag:$0x2] =	stream.indirect_vreg.gather [hbm4b:s8+s4], $0x80, v20, vm0, $0xb8;
	[tilespmem:$0x6300] =	vst v63  }
0x53: {  	s15 =	simm.s32 $0xB80;
	v40 =	vperm.xlane v18, v7;
	v39 =	vadd.s32 v1, v38  }
0x54: {  	[tilespmem:s15], [sflag:$0x2] =	stream.indirect_vreg.gather [hbm4b:s8+s4], $0x80, v21, vm0, $0xb8;
	[tilespmem:$0x6300] =	vst v63  }
0x55: {  	s16 =	simm.s32 $0xC00;
	v42 =	vperm.xlane v18, v9;
	v41 =	vadd.s32 v1, v40  }
0x56: {  	[tilespmem:s16], [sflag:$0x2] =	stream.indirect_vreg.gather [hbm4b:s8+s4], $0x80, v37, vm0, $0xb8;
	[tilespmem:$0x6300] =	vst v63  }
0x57: {  	s17 =	simm.s32 $0xC80;
	v44 =	vperm.xlane v18, v8;
	v43 =	vadd.s32 v1, v42  }
0x58: {  	[tilespmem:s17], [sflag:$0x2] =	stream.indirect_vreg.gather [hbm4b:s8+s4], $0x80, v39, vm0, $0xb8;
	[tilespmem:$0x6300] =	vst v63  }
0x59: {  	s18 =	simm.s32 $0xD00;
	v46 =	vperm.xlane v18, v10;
	v45 =	vadd.s32 v1, v44  }
0x5a: {  	[tilespmem:s18], [sflag:$0x2] =	stream.indirect_vreg.gather [hbm4b:s8+s4], $0x80, v41, vm0, $0xb8;
	[tilespmem:$0x6300] =	vst v63  }
0x5b: {  	s19 =	simm.s32 $0xD80;
	v48 =	vperm.xlane v18, v11;
	v47 =	vadd.s32 v1, v46  }
0x5c: {  	[tilespmem:s19], [sflag:$0x2] =	stream.indirect_vreg.gather [hbm4b:s8+s4], $0x80, v43, vm0, $0xb8;
	[tilespmem:$0x6300] =	vst v63  }
0x5d: {  	s20 =	simm.s32 $0xE00;
	v50 =	vperm.xlane v18, v12;
	v49 =	vadd.s32 v1, v48  }
0x5e: {  	[tilespmem:s20], [sflag:$0x2] =	stream.indirect_vreg.gather [hbm4b:s8+s4], $0x80, v45, vm0, $0xb8;
	[tilespmem:$0x6300] =	vst v63  }
0x5f: {  	s21 =	simm.s32 $0xE80;
	v52 =	vperm.xlane v18, v13;
	v51 =	vadd.s32 v1, v50  }
0x60: {  	[tilespmem:s21], [sflag:$0x2] =	stream.indirect_vreg.gather [hbm4b:s8+s4], $0x80, v47, vm0, $0xb8;
	[tilespmem:$0x6300] =	vst v63  }
0x61: {  	s22 =	simm.s32 $0xF00;
	v54 =	vperm.xlane v18, v14;
	v53 =	vadd.s32 v1, v52  }
0x62: {  	[tilespmem:s22], [sflag:$0x2] =	stream.indirect_vreg.gather [hbm4b:s8+s4], $0x80, v49, vm0, $0xb8;
	[tilespmem:$0x6300] =	vst v63  }
0x63: {  	s23 =	simm.s32 $0xF80;
	v56 =	vperm.xlane v18, v15;
	v55 =	vadd.s32 v1, v54  }
0x64: {  	[tilespmem:s23], [sflag:$0x2] =	stream.indirect_vreg.gather [hbm4b:s8+s4], $0x80, v51, vm0, $0xb8;
	[tilespmem:$0x6300] =	vst v63  }
0x65: {  	s24 =	simm.s32 $0x1000;
	v58 =	vperm.xlane v18, v16;
	v57 =	vadd.s32 v1, v56  }
0x66: {  	[tilespmem:s24], [sflag:$0x2] =	stream.indirect_vreg.gather [hbm4b:s8+s4], $0x80, v53, vm0, $0xb8;
	[tilespmem:$0x6300] =	vst v63  }
0x67: {  	s25 =	simm.s32 $0x1080;
	v18 =	vperm.xlane v18, v17;
	v59 =	vadd.s32 v1, v58  }
0x68: {  	[tilespmem:s25], [sflag:$0x2] =	stream.indirect_vreg.gather [hbm4b:s8+s4], $0x80, v55, vm0, $0xb8;
	[tilespmem:$0x6300] =	vst v63  }
0x69: {  	s26 =	simm.s32 $0x1100;
	v18 =	vadd.s32 v1, v18  }
0x6a: {  	[tilespmem:s26], [sflag:$0x2] =	stream.indirect_vreg.gather [hbm4b:s8+s4], $0x80, v57, vm0, $0xb8;
	[tilespmem:$0x6300] =	vst v63  }
0x6b: {  	s28 =	simm.s32 $0x1180  }
0x6c: {  	[tilespmem:s28], [sflag:$0x2] =	stream.indirect_vreg.gather [hbm4b:s8+s4], $0x80, v59, vm0, $0xb8;
	[tilespmem:$0x6300] =	vst v63  }
0x6d: {  	s29 =	simm.s32 $0x1200  }
0x6e: {  	[tilespmem:s29], [sflag:$0x2] =	stream.indirect_vreg.gather [hbm4b:s8+s4], $0x80, v18, vm0, $0xb8;
	[tilespmem:$0x6300] =	vst v63  }
0x6f: {  	v18 =	vld [tilespmem:$0x1A0];
	_ =	sdelay $0x4  }
0x70: {  	v60 =	vshll.u32 v18, $0x3  }
0x71: {  	v18 =	vand.u32 $0x7, v18;
	v19 =	vand.u32 $0xFFFFFFC0, v60  }
0x72: {  	v18 =	vor.u32 v18, v19  }
0x73: {  	v19 =	vperm.xlane v18, v2;
	_ =	sdelay $0x1  }
0x74: {  	v61 =	vperm.xlane v18, v3;
	v19 =	vadd.s32 v1, v19;
	_ =	sdelay $0x1  }
0x75: {  	v62 =	vperm.xlane v18, v4;
	v20 =	vadd.s32 v1, v61;
	_ =	sdelay $0x1  }
0x76: {  	s30 =	simm.s32 $0x1280;
	v63 =	vperm.xlane v18, v5;
	v21 =	vadd.s32 v1, v62  }
0x77: {  	[tilespmem:s30], [sflag:$0x2] =	stream.indirect_vreg.gather [hbm4b:s8+s4], $0x80, v19, vm0, $0xb8;
	[tilespmem:$0x6300] =	vst v63  }
0x78: {  	s31 =	simm.s32 $0x1300;
	v25 =	vperm.xlane v18, v6;
	v24 =	vadd.s32 v1, v63  }
0x79: {  	[tilespmem:s31], [sflag:$0x2] =	stream.indirect_vreg.gather [hbm4b:s8+s4], $0x80, v20, vm0, $0xb8;
	[tilespmem:$0x6300] =	vst v63  }
0x7a: {  	s11 =	simm.s32 $0x1380;
	v27 =	vperm.xlane v18, v7;
	v26 =	vadd.s32 v1, v25  }
0x7b: {  	[tilespmem:s11], [sflag:$0x2] =	stream.indirect_vreg.gather [hbm4b:s8+s4], $0x80, v21, vm0, $0xb8;
	[tilespmem:$0x6300] =	vst v63  }
0x7c: {  	s12 =	simm.s32 $0x1400;
	v29 =	vperm.xlane v18, v9;
	v28 =	vadd.s32 v1, v27  }
0x7d: {  	[tilespmem:s12], [sflag:$0x2] =	stream.indirect_vreg.gather [hbm4b:s8+s4], $0x80, v24, vm0, $0xb8;
	[tilespmem:$0x6300] =	vst v63  }
0x7e: {  	s13 =	simm.s32 $0x1480;
	v31 =	vperm.xlane v18, v8;
	v30 =	vadd.s32 v1, v29  }
0x7f: {  	[tilespmem:s13], [sflag:$0x2] =	stream.indirect_vreg.gather [hbm4b:s8+s4], $0x80, v26, vm0, $0xb8;
	[tilespmem:$0x6300] =	vst v63  }
0x80: {  	s14 =	simm.s32 $0x1500;
	v33 =	vperm.xlane v18, v10;
	v32 =	vadd.s32 v1, v31  }
0x81: {  	[tilespmem:s14], [sflag:$0x2] =	stream.indirect_vreg.gather [hbm4b:s8+s4], $0x80, v28, vm0, $0xb8;
	[tilespmem:$0x6300] =	vst v63  }
0x82: {  	s15 =	simm.s32 $0x1580;
	v35 =	vperm.xlane v18, v11;
	v34 =	vadd.s32 v1, v33  }
0x83: {  	[tilespmem:s15], [sflag:$0x2] =	stream.indirect_vreg.gather [hbm4b:s8+s4], $0x80, v30, vm0, $0xb8;
	[tilespmem:$0x6300] =	vst v63  }
0x84: {  	s16 =	simm.s32 $0x1600;
	v37 =	vperm.xlane v18, v12;
	v36 =	vadd.s32 v1, v35  }
0x85: {  	[tilespmem:s16], [sflag:$0x2] =	stream.indirect_vreg.gather [hbm4b:s8+s4], $0x80, v32, vm0, $0xb8;
	[tilespmem:$0x6300] =	vst v63  }
0x86: {  	s17 =	simm.s32 $0x1680;
	v39 =	vperm.xlane v18, v13;
	v38 =	vadd.s32 v1, v37  }
0x87: {  	[tilespmem:s17], [sflag:$0x2] =	stream.indirect_vreg.gather [hbm4b:s8+s4], $0x80, v34, vm0, $0xb8;
	[tilespmem:$0x6300] =	vst v63  }
0x88: {  	s18 =	simm.s32 $0x1700;
	v41 =	vperm.xlane v18, v14;
	v40 =	vadd.s32 v1, v39  }
0x89: {  	[tilespmem:s18], [sflag:$0x2] =	stream.indirect_vreg.gather [hbm4b:s8+s4], $0x80, v36, vm0, $0xb8;
	[tilespmem:$0x6300] =	vst v63  }
0x8a: {  	s19 =	simm.s32 $0x1780;
	v43 =	vperm.xlane v18, v15;
	v42 =	vadd.s32 v1, v41  }
0x8b: {  	[tilespmem:s19], [sflag:$0x2] =	stream.indirect_vreg.gather [hbm4b:s8+s4], $0x80, v38, vm0, $0xb8;
	[tilespmem:$0x6300] =	vst v63  }
0x8c: {  	s20 =	simm.s32 $0x1800;
	v45 =	vperm.xlane v18, v16;
	v44 =	vadd.s32 v1, v43  }
0x8d: {  	[tilespmem:s20], [sflag:$0x2] =	stream.indirect_vreg.gather [hbm4b:s8+s4], $0x80, v40, vm0, $0xb8;
	[tilespmem:$0x6300] =	vst v63  }
0x8e: {  	s21 =	simm.s32 $0x1880;
	v18 =	vperm.xlane v18, v17;
	v46 =	vadd.s32 v1, v45  }
0x8f: {  	[tilespmem:s21], [sflag:$0x2] =	stream.indirect_vreg.gather [hbm4b:s8+s4], $0x80, v42, vm0, $0xb8;
	[tilespmem:$0x6300] =	vst v63  }
0x90: {  	s22 =	simm.s32 $0x1900;
	v18 =	vadd.s32 v1, v18  }
0x91: {  	[tilespmem:s22], [sflag:$0x2] =	stream.indirect_vreg.gather [hbm4b:s8+s4], $0x80, v44, vm0, $0xb8;
	[tilespmem:$0x6300] =	vst v63  }
0x92: {  	s23 =	simm.s32 $0x1980  }
0x93: {  	[tilespmem:s23], [sflag:$0x2] =	stream.indirect_vreg.gather [hbm4b:s8+s4], $0x80, v46, vm0, $0xb8;
	[tilespmem:$0x6300] =	vst v63  }
0x94: {  	s24 =	simm.s32 $0x1A00  }
0x95: {  	[tilespmem:s24], [sflag:$0x2] =	stream.indirect_vreg.gather [hbm4b:s8+s4], $0x80, v18, vm0, $0xb8;
	[tilespmem:$0x6300] =	vst v63  }
0x96: {  	v18 =	vld [tilespmem:$0x1B0];
	_ =	sdelay $0x4  }
0x97: {  	v47 =	vshll.u32 v18, $0x3  }
0x98: {  	v18 =	vand.u32 $0x7, v18;
	v19 =	vand.u32 $0xFFFFFFC0, v47  }
0x99: {  	v18 =	vor.u32 v18, v19  }
0x9a: {  	v19 =	vperm.xlane v18, v2;
	_ =	sdelay $0x1  }
0x9b: {  	v48 =	vperm.xlane v18, v3;
	v19 =	vadd.s32 v1, v19;
	_ =	sdelay $0x1  }
0x9c: {  	v49 =	vperm.xlane v18, v4;
	v20 =	vadd.s32 v1, v48;
	_ =	sdelay $0x1  }
0x9d: {  	s25 =	simm.s32 $0x1A80;
	v50 =	vperm.xlane v18, v5;
	v21 =	vadd.s32 v1, v49  }
0x9e: {  	[tilespmem:s25], [sflag:$0x2] =	stream.indirect_vreg.gather [hbm4b:s8+s4], $0x80, v19, vm0, $0xb8;
	[tilespmem:$0x6300] =	vst v63  }
0x9f: {  	s26 =	simm.s32 $0x1B00;
	v52 =	vperm.xlane v18, v6;
	v51 =	vadd.s32 v1, v50  }
0xa0: {  	[tilespmem:s26], [sflag:$0x2] =	stream.indirect_vreg.gather [hbm4b:s8+s4], $0x80, v20, vm0, $0xb8;
	[tilespmem:$0x6300] =	vst v63  }
0xa1: {  	s28 =	simm.s32 $0x1B80;
	v54 =	vperm.xlane v18, v7;
	v53 =	vadd.s32 v1, v52  }
0xa2: {  	[tilespmem:s28], [sflag:$0x2] =	stream.indirect_vreg.gather [hbm4b:s8+s4], $0x80, v21, vm0, $0xb8;
	[tilespmem:$0x6300] =	vst v63  }
0xa3: {  	s29 =	simm.s32 $0x1C00;
	v56 =	vperm.xlane v18, v9;
	v55 =	vadd.s32 v1, v54  }
0xa4: {  	[tilespmem:s29], [sflag:$0x2] =	stream.indirect_vreg.gather [hbm4b:s8+s4], $0x80, v51, vm0, $0xb8;
	[tilespmem:$0x6300] =	vst v63  }
0xa5: {  	s30 =	simm.s32 $0x1C80;
	v58 =	vperm.xlane v18, v8;
	v57 =	vadd.s32 v1, v56  }
0xa6: {  	[tilespmem:s30], [sflag:$0x2] =	stream.indirect_vreg.gather [hbm4b:s8+s4], $0x80, v53, vm0, $0xb8;
	[tilespmem:$0x6300] =	vst v63  }
0xa7: {  	s31 =	simm.s32 $0x1D00;
	v60 =	vperm.xlane v18, v10;
	v59 =	vadd.s32 v1, v58  }
0xa8: {  	[tilespmem:s31], [sflag:$0x2] =	stream.indirect_vreg.gather [hbm4b:s8+s4], $0x80, v55, vm0, $0xb8;
	[tilespmem:$0x6300] =	vst v63  }
0xa9: {  	s11 =	simm.s32 $0x1D80;
	v62 =	vperm.xlane v18, v11;
	v61 =	vadd.s32 v1, v60  }
0xaa: {  	[tilespmem:s11], [sflag:$0x2] =	stream.indirect_vreg.gather [hbm4b:s8+s4], $0x80, v57, vm0, $0xb8;
	[tilespmem:$0x6300] =	vst v63  }
0xab: {  	s12 =	simm.s32 $0x1E00;
	v24 =	vperm.xlane v18, v12;
	v63 =	vadd.s32 v1, v62  }
0xac: {  	[tilespmem:s12], [sflag:$0x2] =	stream.indirect_vreg.gather [hbm4b:s8+s4], $0x80, v59, vm0, $0xb8;
	[tilespmem:$0x6300] =	vst v63  }
0xad: {  	s13 =	simm.s32 $0x1E80;
	v26 =	vperm.xlane v18, v13;
	v25 =	vadd.s32 v1, v24  }
0xae: {  	[tilespmem:s13], [sflag:$0x2] =	stream.indirect_vreg.gather [hbm4b:s8+s4], $0x80, v61, vm0, $0xb8;
	[tilespmem:$0x6300] =	vst v63  }
0xaf: {  	s14 =	simm.s32 $0x1F00;
	v28 =	vperm.xlane v18, v14;
	v27 =	vadd.s32 v1, v26  }
0xb0: {  	[tilespmem:s14], [sflag:$0x2] =	stream.indirect_vreg.gather [hbm4b:s8+s4], $0x80, v63, vm0, $0xb8;
	[tilespmem:$0x6300] =	vst v63  }
0xb1: {  	s15 =	simm.s32 $0x1F80;
	v30 =	vperm.xlane v18, v15;
	v29 =	vadd.s32 v1, v28  }
0xb2: {  	[tilespmem:s15], [sflag:$0x2] =	stream.indirect_vreg.gather [hbm4b:s8+s4], $0x80, v25, vm0, $0xb8;
	[tilespmem:$0x6300] =	vst v63  }
0xb3: {  	s16 =	simm.s32 $0x2000;
	v32 =	vperm.xlane v18, v16;
	v31 =	vadd.s32 v1, v30  }
0xb4: {  	[tilespmem:s16], [sflag:$0x2] =	stream.indirect_vreg.gather [hbm4b:s8+s4], $0x80, v27, vm0, $0xb8;
	[tilespmem:$0x6300] =	vst v63  }
0xb5: {  	s17 =	simm.s32 $0x2080;
	v18 =	vperm.xlane v18, v17;
	v33 =	vadd.s32 v1, v32  }
0xb6: {  	[tilespmem:s17], [sflag:$0x2] =	stream.indirect_vreg.gather [hbm4b:s8+s4], $0x80, v29, vm0, $0xb8;
	[tilespmem:$0x6300] =	vst v63  }
0xb7: {  	s18 =	simm.s32 $0x2100;
	v18 =	vadd.s32 v1, v18  }
0xb8: {  	[tilespmem:s18], [sflag:$0x2] =	stream.indirect_vreg.gather [hbm4b:s8+s4], $0x80, v31, vm0, $0xb8;
	[tilespmem:$0x6300] =	vst v63  }
0xb9: {  	s19 =	simm.s32 $0x2180  }
0xba: {  	[tilespmem:s19], [sflag:$0x2] =	stream.indirect_vreg.gather [hbm4b:s8+s4], $0x80, v33, vm0, $0xb8;
	[tilespmem:$0x6300] =	vst v63  }
0xbb: {  	s20 =	simm.s32 $0x2200  }
0xbc: {  	[tilespmem:s20], [sflag:$0x2] =	stream.indirect_vreg.gather [hbm4b:s8+s4], $0x80, v18, vm0, $0xb8;
	[tilespmem:$0x6300] =	vst v63  }
0xbd: {  	v18 =	vld [tilespmem:$0x1C0];
	_ =	sdelay $0x4  }
0xbe: {  	v34 =	vshll.u32 v18, $0x3  }
0xbf: {  	v18 =	vand.u32 $0x7, v18;
	v19 =	vand.u32 $0xFFFFFFC0, v34  }
0xc0: {  	v18 =	vor.u32 v18, v19  }
0xc1: {  	v19 =	vperm.xlane v18, v2;
	_ =	sdelay $0x1  }
0xc2: {  	v35 =	vperm.xlane v18, v3;
	v19 =	vadd.s32 v1, v19;
	_ =	sdelay $0x1  }
0xc3: {  	v36 =	vperm.xlane v18, v4;
	v20 =	vadd.s32 v1, v35;
	_ =	sdelay $0x1  }
0xc4: {  	s21 =	simm.s32 $0x2280;
	v37 =	vperm.xlane v18, v5;
	v21 =	vadd.s32 v1, v36  }
0xc5: {  	[tilespmem:s21], [sflag:$0x2] =	stream.indirect_vreg.gather [hbm4b:s8+s4], $0x80, v19, vm0, $0xb8;
	[tilespmem:$0x6300] =	vst v63  }
0xc6: {  	s22 =	simm.s32 $0x2300;
	v39 =	vperm.xlane v18, v6;
	v38 =	vadd.s32 v1, v37  }
0xc7: {  	[tilespmem:s22], [sflag:$0x2] =	stream.indirect_vreg.gather [hbm4b:s8+s4], $0x80, v20, vm0, $0xb8;
	[tilespmem:$0x6300] =	vst v63  }
0xc8: {  	s23 =	simm.s32 $0x2380;
	v41 =	vperm.xlane v18, v7;
	v40 =	vadd.s32 v1, v39  }
0xc9: {  	[tilespmem:s23], [sflag:$0x2] =	stream.indirect_vreg.gather [hbm4b:s8+s4], $0x80, v21, vm0, $0xb8;
	[tilespmem:$0x6300] =	vst v63  }
0xca: {  	s24 =	simm.s32 $0x2400;
	v43 =	vperm.xlane v18, v9;
	v42 =	vadd.s32 v1, v41  }
0xcb: {  	[tilespmem:s24], [sflag:$0x2] =	stream.indirect_vreg.gather [hbm4b:s8+s4], $0x80, v38, vm0, $0xb8;
	[tilespmem:$0x6300] =	vst v63  }
0xcc: {  	s25 =	simm.s32 $0x2480;
	v45 =	vperm.xlane v18, v8;
	v44 =	vadd.s32 v1, v43  }
0xcd: {  	[tilespmem:s25], [sflag:$0x2] =	stream.indirect_vreg.gather [hbm4b:s8+s4], $0x80, v40, vm0, $0xb8;
	[tilespmem:$0x6300] =	vst v63  }
0xce: {  	s26 =	simm.s32 $0x2500;
	v47 =	vperm.xlane v18, v10;
	v46 =	vadd.s32 v1, v45  }
0xcf: {  	[tilespmem:s26], [sflag:$0x2] =	stream.indirect_vreg.gather [hbm4b:s8+s4], $0x80, v42, vm0, $0xb8;
	[tilespmem:$0x6300] =	vst v63  }
0xd0: {  	s28 =	simm.s32 $0x2580;
	v49 =	vperm.xlane v18, v11;
	v48 =	vadd.s32 v1, v47  }
0xd1: {  	[tilespmem:s28], [sflag:$0x2] =	stream.indirect_vreg.gather [hbm4b:s8+s4], $0x80, v44, vm0, $0xb8;
	[tilespmem:$0x6300] =	vst v63  }
0xd2: {  	s29 =	simm.s32 $0x2600;
	v51 =	vperm.xlane v18, v12;
	v50 =	vadd.s32 v1, v49  }
0xd3: {  	[tilespmem:s29], [sflag:$0x2] =	stream.indirect_vreg.gather [hbm4b:s8+s4], $0x80, v46, vm0, $0xb8;
	[tilespmem:$0x6300] =	vst v63  }
0xd4: {  	s30 =	simm.s32 $0x2680;
	v53 =	vperm.xlane v18, v13;
	v52 =	vadd.s32 v1, v51  }
0xd5: {  	[tilespmem:s30], [sflag:$0x2] =	stream.indirect_vreg.gather [hbm4b:s8+s4], $0x80, v48, vm0, $0xb8;
	[tilespmem:$0x6300] =	vst v63  }
0xd6: {  	s31 =	simm.s32 $0x2700;
	v55 =	vperm.xlane v18, v14;
	v54 =	vadd.s32 v1, v53  }
0xd7: {  	[tilespmem:s31], [sflag:$0x2] =	stream.indirect_vreg.gather [hbm4b:s8+s4], $0x80, v50, vm0, $0xb8;
	[tilespmem:$0x6300] =	vst v63  }
0xd8: {  	s11 =	simm.s32 $0x2780;
	v57 =	vperm.xlane v18, v15;
	v56 =	vadd.s32 v1, v55  }
0xd9: {  	[tilespmem:s11], [sflag:$0x2] =	stream.indirect_vreg.gather [hbm4b:s8+s4], $0x80, v52, vm0, $0xb8;
	[tilespmem:$0x6300] =	vst v63  }
0xda: {  	s12 =	simm.s32 $0x2800;
	v59 =	vperm.xlane v18, v16;
	v58 =	vadd.s32 v1, v57  }
0xdb: {  	[tilespmem:s12], [sflag:$0x2] =	stream.indirect_vreg.gather [hbm4b:s8+s4], $0x80, v54, vm0, $0xb8;
	[tilespmem:$0x6300] =	vst v63  }
0xdc: {  	s13 =	simm.s32 $0x2880;
	v18 =	vperm.xlane v18, v17;
	v60 =	vadd.s32 v1, v59  }
0xdd: {  	[tilespmem:s13], [sflag:$0x2] =	stream.indirect_vreg.gather [hbm4b:s8+s4], $0x80, v56, vm0, $0xb8;
	[tilespmem:$0x6300] =	vst v63  }
0xde: {  	s14 =	simm.s32 $0x2900;
	v18 =	vadd.s32 v1, v18  }
0xdf: {  	[tilespmem:s14], [sflag:$0x2] =	stream.indirect_vreg.gather [hbm4b:s8+s4], $0x80, v58, vm0, $0xb8;
	[tilespmem:$0x6300] =	vst v63  }
0xe0: {  	s15 =	simm.s32 $0x2980  }
0xe1: {  	[tilespmem:s15], [sflag:$0x2] =	stream.indirect_vreg.gather [hbm4b:s8+s4], $0x80, v60, vm0, $0xb8;
	[tilespmem:$0x6300] =	vst v63  }
0xe2: {  	s16 =	simm.s32 $0x2A00  }
0xe3: {  	[tilespmem:s16], [sflag:$0x2] =	stream.indirect_vreg.gather [hbm4b:s8+s4], $0x80, v18, vm0, $0xb8;
	[tilespmem:$0x6300] =	vst v63  }
0xe4: {  	v18 =	vld [tilespmem:$0x1D0];
	_ =	sdelay $0x4  }
0xe5: {  	v61 =	vshll.u32 v18, $0x3  }
0xe6: {  	v18 =	vand.u32 $0x7, v18;
	v19 =	vand.u32 $0xFFFFFFC0, v61  }
0xe7: {  	v18 =	vor.u32 v18, v19  }
0xe8: {  	v19 =	vperm.xlane v18, v2;
	_ =	sdelay $0x1  }
0xe9: {  	v62 =	vperm.xlane v18, v3;
	v19 =	vadd.s32 v1, v19;
	_ =	sdelay $0x1  }
0xea: {  	v63 =	vperm.xlane v18, v4;
	v20 =	vadd.s32 v1, v62;
	_ =	sdelay $0x1  }
0xeb: {  	s17 =	simm.s32 $0x2A80;
	v24 =	vperm.xlane v18, v5;
	v21 =	vadd.s32 v1, v63  }
0xec: {  	[tilespmem:s17], [sflag:$0x2] =	stream.indirect_vreg.gather [hbm4b:s8+s4], $0x80, v19, vm0, $0xb8;
	[tilespmem:$0x6300] =	vst v63  }
0xed: {  	s18 =	simm.s32 $0x2B00;
	v26 =	vperm.xlane v18, v6;
	v25 =	vadd.s32 v1, v24  }
0xee: {  	[tilespmem:s18], [sflag:$0x2] =	stream.indirect_vreg.gather [hbm4b:s8+s4], $0x80, v20, vm0, $0xb8;
	[tilespmem:$0x6300] =	vst v63  }
0xef: {  	s19 =	simm.s32 $0x2B80;
	v28 =	vperm.xlane v18, v7;
	v27 =	vadd.s32 v1, v26  }
0xf0: {  	[tilespmem:s19], [sflag:$0x2] =	stream.indirect_vreg.gather [hbm4b:s8+s4], $0x80, v21, vm0, $0xb8;
	[tilespmem:$0x6300] =	vst v63  }
0xf1: {  	s20 =	simm.s32 $0x2C00;
	v30 =	vperm.xlane v18, v9;
	v29 =	vadd.s32 v1, v28  }
0xf2: {  	[tilespmem:s20], [sflag:$0x2] =	stream.indirect_vreg.gather [hbm4b:s8+s4], $0x80, v25, vm0, $0xb8;
	[tilespmem:$0x6300] =	vst v63  }
0xf3: {  	s21 =	simm.s32 $0x2C80;
	v32 =	vperm.xlane v18, v8;
	v31 =	vadd.s32 v1, v30  }
0xf4: {  	[tilespmem:s21], [sflag:$0x2] =	stream.indirect_vreg.gather [hbm4b:s8+s4], $0x80, v27, vm0, $0xb8;
	[tilespmem:$0x6300] =	vst v63  }
0xf5: {  	s22 =	simm.s32 $0x2D00;
	v34 =	vperm.xlane v18, v10;
	v33 =	vadd.s32 v1, v32  }
0xf6: {  	[tilespmem:s22], [sflag:$0x2] =	stream.indirect_vreg.gather [hbm4b:s8+s4], $0x80, v29, vm0, $0xb8;
	[tilespmem:$0x6300] =	vst v63  }
0xf7: {  	s23 =	simm.s32 $0x2D80;
	v36 =	vperm.xlane v18, v11;
	v35 =	vadd.s32 v1, v34  }
0xf8: {  	[tilespmem:s23], [sflag:$0x2] =	stream.indirect_vreg.gather [hbm4b:s8+s4], $0x80, v31, vm0, $0xb8;
	[tilespmem:$0x6300] =	vst v63  }
0xf9: {  	s24 =	simm.s32 $0x2E00;
	v38 =	vperm.xlane v18, v12;
	v37 =	vadd.s32 v1, v36  }
0xfa: {  	[tilespmem:s24], [sflag:$0x2] =	stream.indirect_vreg.gather [hbm4b:s8+s4], $0x80, v33, vm0, $0xb8;
	[tilespmem:$0x6300] =	vst v63  }
0xfb: {  	s25 =	simm.s32 $0x2E80;
	v40 =	vperm.xlane v18, v13;
	v39 =	vadd.s32 v1, v38  }
0xfc: {  	[tilespmem:s25], [sflag:$0x2] =	stream.indirect_vreg.gather [hbm4b:s8+s4], $0x80, v35, vm0, $0xb8;
	[tilespmem:$0x6300] =	vst v63  }
0xfd: {  	s26 =	simm.s32 $0x2F00;
	v42 =	vperm.xlane v18, v14;
	v41 =	vadd.s32 v1, v40  }
0xfe: {  	[tilespmem:s26], [sflag:$0x2] =	stream.indirect_vreg.gather [hbm4b:s8+s4], $0x80, v37, vm0, $0xb8;
	[tilespmem:$0x6300] =	vst v63  }
0xff: {  	s28 =	simm.s32 $0x2F80;
	v44 =	vperm.xlane v18, v15;
	v43 =	vadd.s32 v1, v42  }
0x100: {  	[tilespmem:s28], [sflag:$0x2] =	stream.indirect_vreg.gather [hbm4b:s8+s4], $0x80, v39, vm0, $0xb8;
	[tilespmem:$0x6300] =	vst v63  }
0x101: {  	s29 =	simm.s32 $0x3000;
	v46 =	vperm.xlane v18, v16;
	v45 =	vadd.s32 v1, v44  }
0x102: {  	[tilespmem:s29], [sflag:$0x2] =	stream.indirect_vreg.gather [hbm4b:s8+s4], $0x80, v41, vm0, $0xb8;
	[tilespmem:$0x6300] =	vst v63  }
0x103: {  	s30 =	simm.s32 $0x3080;
	v18 =	vperm.xlane v18, v17;
	v47 =	vadd.s32 v1, v46  }
0x104: {  	[tilespmem:s30], [sflag:$0x2] =	stream.indirect_vreg.gather [hbm4b:s8+s4], $0x80, v43, vm0, $0xb8;
	[tilespmem:$0x6300] =	vst v63  }
0x105: {  	s31 =	simm.s32 $0x3100;
	v18 =	vadd.s32 v1, v18  }
0x106: {  	[tilespmem:s31], [sflag:$0x2] =	stream.indirect_vreg.gather [hbm4b:s8+s4], $0x80, v45, vm0, $0xb8;
	[tilespmem:$0x6300] =	vst v63  }
0x107: {  	s11 =	simm.s32 $0x3180  }
0x108: {  	[tilespmem:s11], [sflag:$0x2] =	stream.indirect_vreg.gather [hbm4b:s8+s4], $0x80, v47, vm0, $0xb8;
	[tilespmem:$0x6300] =	vst v63  }
0x109: {  	s12 =	simm.s32 $0x3200  }
0x10a: {  	[tilespmem:s12], [sflag:$0x2] =	stream.indirect_vreg.gather [hbm4b:s8+s4], $0x80, v18, vm0, $0xb8;
	[tilespmem:$0x6300] =	vst v63  }
0x10b: {  	v18 =	vld [tilespmem:$0x1E0];
	_ =	sdelay $0x4  }
0x10c: {  	v48 =	vshll.u32 v18, $0x3  }
0x10d: {  	v18 =	vand.u32 $0x7, v18;
	v19 =	vand.u32 $0xFFFFFFC0, v48  }
0x10e: {  	v18 =	vor.u32 v18, v19  }
0x10f: {  	v19 =	vperm.xlane v18, v2;
	_ =	sdelay $0x1  }
0x110: {  	v49 =	vperm.xlane v18, v3;
	v19 =	vadd.s32 v1, v19;
	_ =	sdelay $0x1  }
0x111: {  	v50 =	vperm.xlane v18, v4;
	v20 =	vadd.s32 v1, v49;
	_ =	sdelay $0x1  }
0x112: {  	s13 =	simm.s32 $0x3280;
	v51 =	vperm.xlane v18, v5;
	v21 =	vadd.s32 v1, v50  }
0x113: {  	[tilespmem:s13], [sflag:$0x2] =	stream.indirect_vreg.gather [hbm4b:s8+s4], $0x80, v19, vm0, $0xb8;
	[tilespmem:$0x6300] =	vst v63  }
0x114: {  	s14 =	simm.s32 $0x3300;
	v53 =	vperm.xlane v18, v6;
	v52 =	vadd.s32 v1, v51  }
0x115: {  	[tilespmem:s14], [sflag:$0x2] =	stream.indirect_vreg.gather [hbm4b:s8+s4], $0x80, v20, vm0, $0xb8;
	[tilespmem:$0x6300] =	vst v63  }
0x116: {  	s15 =	simm.s32 $0x3380;
	v55 =	vperm.xlane v18, v7;
	v54 =	vadd.s32 v1, v53  }
0x117: {  	[tilespmem:s15], [sflag:$0x2] =	stream.indirect_vreg.gather [hbm4b:s8+s4], $0x80, v21, vm0, $0xb8;
	[tilespmem:$0x6300] =	vst v63  }
0x118: {  	s16 =	simm.s32 $0x3400;
	v57 =	vperm.xlane v18, v9;
	v56 =	vadd.s32 v1, v55  }
0x119: {  	[tilespmem:s16], [sflag:$0x2] =	stream.indirect_vreg.gather [hbm4b:s8+s4], $0x80, v52, vm0, $0xb8;
	[tilespmem:$0x6300] =	vst v63  }
0x11a: {  	s17 =	simm.s32 $0x3480;
	v59 =	vperm.xlane v18, v8;
	v58 =	vadd.s32 v1, v57  }
0x11b: {  	[tilespmem:s17], [sflag:$0x2] =	stream.indirect_vreg.gather [hbm4b:s8+s4], $0x80, v54, vm0, $0xb8;
	[tilespmem:$0x6300] =	vst v63  }
0x11c: {  	s18 =	simm.s32 $0x3500;
	v61 =	vperm.xlane v18, v10;
	v60 =	vadd.s32 v1, v59  }
0x11d: {  	[tilespmem:s18], [sflag:$0x2] =	stream.indirect_vreg.gather [hbm4b:s8+s4], $0x80, v56, vm0, $0xb8;
	[tilespmem:$0x6300] =	vst v63  }
0x11e: {  	s19 =	simm.s32 $0x3580;
	v63 =	vperm.xlane v18, v11;
	v62 =	vadd.s32 v1, v61  }
0x11f: {  	[tilespmem:s19], [sflag:$0x2] =	stream.indirect_vreg.gather [hbm4b:s8+s4], $0x80, v58, vm0, $0xb8;
	[tilespmem:$0x6300] =	vst v63  }
0x120: {  	s20 =	simm.s32 $0x3600;
	v25 =	vperm.xlane v18, v12;
	v24 =	vadd.s32 v1, v63  }
0x121: {  	[tilespmem:s20], [sflag:$0x2] =	stream.indirect_vreg.gather [hbm4b:s8+s4], $0x80, v60, vm0, $0xb8;
	[tilespmem:$0x6300] =	vst v63  }
0x122: {  	s21 =	simm.s32 $0x3680;
	v27 =	vperm.xlane v18, v13;
	v26 =	vadd.s32 v1, v25  }
0x123: {  	[tilespmem:s21], [sflag:$0x2] =	stream.indirect_vreg.gather [hbm4b:s8+s4], $0x80, v62, vm0, $0xb8;
	[tilespmem:$0x6300] =	vst v63  }
0x124: {  	s22 =	simm.s32 $0x3700;
	v29 =	vperm.xlane v18, v14;
	v28 =	vadd.s32 v1, v27  }
0x125: {  	[tilespmem:s22], [sflag:$0x2] =	stream.indirect_vreg.gather [hbm4b:s8+s4], $0x80, v24, vm0, $0xb8;
	[tilespmem:$0x6300] =	vst v63  }
0x126: {  	s23 =	simm.s32 $0x3780;
	v31 =	vperm.xlane v18, v15;
	v30 =	vadd.s32 v1, v29  }
0x127: {  	[tilespmem:s23], [sflag:$0x2] =	stream.indirect_vreg.gather [hbm4b:s8+s4], $0x80, v26, vm0, $0xb8;
	[tilespmem:$0x6300] =	vst v63  }
0x128: {  	s24 =	simm.s32 $0x3800;
	v33 =	vperm.xlane v18, v16;
	v32 =	vadd.s32 v1, v31  }
0x129: {  	[tilespmem:s24], [sflag:$0x2] =	stream.indirect_vreg.gather [hbm4b:s8+s4], $0x80, v28, vm0, $0xb8;
	[tilespmem:$0x6300] =	vst v63  }
0x12a: {  	s25 =	simm.s32 $0x3880;
	v18 =	vperm.xlane v18, v17;
	v34 =	vadd.s32 v1, v33  }
0x12b: {  	[tilespmem:s25], [sflag:$0x2] =	stream.indirect_vreg.gather [hbm4b:s8+s4], $0x80, v30, vm0, $0xb8;
	[tilespmem:$0x6300] =	vst v63  }
0x12c: {  	s26 =	simm.s32 $0x3900;
	v18 =	vadd.s32 v1, v18  }
0x12d: {  	[tilespmem:s26], [sflag:$0x2] =	stream.indirect_vreg.gather [hbm4b:s8+s4], $0x80, v32, vm0, $0xb8;
	[tilespmem:$0x6300] =	vst v63  }
0x12e: {  	s28 =	simm.s32 $0x3980  }
0x12f: {  	[tilespmem:s28], [sflag:$0x2] =	stream.indirect_vreg.gather [hbm4b:s8+s4], $0x80, v34, vm0, $0xb8;
	[tilespmem:$0x6300] =	vst v63  }
0x130: {  	s29 =	simm.s32 $0x3A00  }
0x131: {  	[tilespmem:s29], [sflag:$0x2] =	stream.indirect_vreg.gather [hbm4b:s8+s4], $0x80, v18, vm0, $0xb8;
	[tilespmem:$0x6300] =	vst v63  }
0x132: {  	v18 =	vld [tilespmem:$0x1F0];
	_ =	sdelay $0x4  }
0x133: {  	v35 =	vshll.u32 v18, $0x3  }
0x134: {  	v18 =	vand.u32 $0x7, v18;
	v19 =	vand.u32 $0xFFFFFFC0, v35  }
0x135: {  	v18 =	vor.u32 v18, v19  }
0x136: {  	v19 =	vperm.xlane v18, v2;
	_ =	sdelay $0x1  }
0x137: {  	v36 =	vperm.xlane v18, v3;
	v19 =	vadd.s32 v1, v19;
	_ =	sdelay $0x1  }
0x138: {  	v37 =	vperm.xlane v18, v4;
	v20 =	vadd.s32 v1, v36;
	_ =	sdelay $0x1  }
0x139: {  	s30 =	simm.s32 $0x3A80;
	v38 =	vperm.xlane v18, v5;
	v21 =	vadd.s32 v1, v37  }
0x13a: {  	[tilespmem:s30], [sflag:$0x2] =	stream.indirect_vreg.gather [hbm4b:s8+s4], $0x80, v19, vm0, $0xb8;
	[tilespmem:$0x6300] =	vst v63  }
0x13b: {  	s31 =	simm.s32 $0x3B00;
	v40 =	vperm.xlane v18, v6;
	v39 =	vadd.s32 v1, v38  }
0x13c: {  	[tilespmem:s31], [sflag:$0x2] =	stream.indirect_vreg.gather [hbm4b:s8+s4], $0x80, v20, vm0, $0xb8;
	[tilespmem:$0x6300] =	vst v63  }
0x13d: {  	s11 =	simm.s32 $0x3B80;
	v42 =	vperm.xlane v18, v7;
	v41 =	vadd.s32 v1, v40  }
0x13e: {  	[tilespmem:s11], [sflag:$0x2] =	stream.indirect_vreg.gather [hbm4b:s8+s4], $0x80, v21, vm0, $0xb8;
	[tilespmem:$0x6300] =	vst v63  }
0x13f: {  	s12 =	simm.s32 $0x3C00;
	v44 =	vperm.xlane v18, v9;
	v43 =	vadd.s32 v1, v42  }
0x140: {  	[tilespmem:s12], [sflag:$0x2] =	stream.indirect_vreg.gather [hbm4b:s8+s4], $0x80, v39, vm0, $0xb8;
	[tilespmem:$0x6300] =	vst v63  }
0x141: {  	s13 =	simm.s32 $0x3C80;
	v46 =	vperm.xlane v18, v8;
	v45 =	vadd.s32 v1, v44  }
0x142: {  	[tilespmem:s13], [sflag:$0x2] =	stream.indirect_vreg.gather [hbm4b:s8+s4], $0x80, v41, vm0, $0xb8;
	[tilespmem:$0x6300] =	vst v63  }
0x143: {  	s14 =	simm.s32 $0x3D00;
	v48 =	vperm.xlane v18, v10;
	v47 =	vadd.s32 v1, v46  }
0x144: {  	[tilespmem:s14], [sflag:$0x2] =	stream.indirect_vreg.gather [hbm4b:s8+s4], $0x80, v43, vm0, $0xb8;
	[tilespmem:$0x6300] =	vst v63  }
0x145: {  	s15 =	simm.s32 $0x3D80;
	v50 =	vperm.xlane v18, v11;
	v49 =	vadd.s32 v1, v48  }
0x146: {  	[tilespmem:s15], [sflag:$0x2] =	stream.indirect_vreg.gather [hbm4b:s8+s4], $0x80, v45, vm0, $0xb8;
	[tilespmem:$0x6300] =	vst v63  }
0x147: {  	s16 =	simm.s32 $0x3E00;
	v52 =	vperm.xlane v18, v12;
	v51 =	vadd.s32 v1, v50  }
0x148: {  	[tilespmem:s16], [sflag:$0x2] =	stream.indirect_vreg.gather [hbm4b:s8+s4], $0x80, v47, vm0, $0xb8;
	[tilespmem:$0x6300] =	vst v63  }
0x149: {  	s17 =	simm.s32 $0x3E80;
	v54 =	vperm.xlane v18, v13;
	v53 =	vadd.s32 v1, v52  }
0x14a: {  	[tilespmem:s17], [sflag:$0x2] =	stream.indirect_vreg.gather [hbm4b:s8+s4], $0x80, v49, vm0, $0xb8;
	[tilespmem:$0x6300] =	vst v63  }
0x14b: {  	s18 =	simm.s32 $0x3F00;
	v56 =	vperm.xlane v18, v14;
	v55 =	vadd.s32 v1, v54  }
0x14c: {  	[tilespmem:s18], [sflag:$0x2] =	stream.indirect_vreg.gather [hbm4b:s8+s4], $0x80, v51, vm0, $0xb8;
	[tilespmem:$0x6300] =	vst v63  }
0x14d: {  	s19 =	simm.s32 $0x3F80;
	v58 =	vperm.xlane v18, v15;
	v57 =	vadd.s32 v1, v56  }
0x14e: {  	[tilespmem:s19], [sflag:$0x2] =	stream.indirect_vreg.gather [hbm4b:s8+s4], $0x80, v53, vm0, $0xb8;
	[tilespmem:$0x6300] =	vst v63  }
0x14f: {  	s20 =	simm.s32 $0x4000;
	v60 =	vperm.xlane v18, v16;
	v59 =	vadd.s32 v1, v58  }
0x150: {  	[tilespmem:s20], [sflag:$0x2] =	stream.indirect_vreg.gather [hbm4b:s8+s4], $0x80, v55, vm0, $0xb8;
	[tilespmem:$0x6300] =	vst v63  }
0x151: {  	s21 =	simm.s32 $0x4080;
	v18 =	vperm.xlane v18, v17;
	v61 =	vadd.s32 v1, v60  }
0x152: {  	[tilespmem:s21], [sflag:$0x2] =	stream.indirect_vreg.gather [hbm4b:s8+s4], $0x80, v57, vm0, $0xb8;
	[tilespmem:$0x6300] =	vst v63  }
0x153: {  	s22 =	simm.s32 $0x4100;
	v18 =	vadd.s32 v1, v18  }
0x154: {  	[tilespmem:s22], [sflag:$0x2] =	stream.indirect_vreg.gather [hbm4b:s8+s4], $0x80, v59, vm0, $0xb8;
	[tilespmem:$0x6300] =	vst v63  }
0x155: {  	s23 =	simm.s32 $0x4180  }
0x156: {  	[tilespmem:s23], [sflag:$0x2] =	stream.indirect_vreg.gather [hbm4b:s8+s4], $0x80, v61, vm0, $0xb8;
	[tilespmem:$0x6300] =	vst v63  }
0x157: {  	s24 =	simm.s32 $0x4200  }
0x158: {  	[tilespmem:s24], [sflag:$0x2] =	stream.indirect_vreg.gather [hbm4b:s8+s4], $0x80, v18, vm0, $0xb8;
	[tilespmem:$0x6300] =	vst v63  }
0x159: {  	v18 =	vld [tilespmem:$0x200];
	_ =	sdelay $0x4  }
0x15a: {  	v62 =	vshll.u32 v18, $0x3  }
0x15b: {  	v18 =	vand.u32 $0x7, v18;
	v19 =	vand.u32 $0xFFFFFFC0, v62  }
0x15c: {  	v18 =	vor.u32 v18, v19  }
0x15d: {  	v19 =	vperm.xlane v18, v2;
	_ =	sdelay $0x1  }
0x15e: {  	v63 =	vperm.xlane v18, v3;
	v19 =	vadd.s32 v1, v19;
	_ =	sdelay $0x1  }
0x15f: {  	v24 =	vperm.xlane v18, v4;
	v20 =	vadd.s32 v1, v63;
	_ =	sdelay $0x1  }
0x160: {  	s25 =	simm.s32 $0x4280;
	v25 =	vperm.xlane v18, v5;
	v21 =	vadd.s32 v1, v24  }
0x161: {  	[tilespmem:s25], [sflag:$0x2] =	stream.indirect_vreg.gather [hbm4b:s8+s4], $0x80, v19, vm0, $0xb8;
	[tilespmem:$0x6300] =	vst v63  }
0x162: {  	s26 =	simm.s32 $0x4300;
	v27 =	vperm.xlane v18, v6;
	v26 =	vadd.s32 v1, v25  }
0x163: {  	[tilespmem:s26], [sflag:$0x2] =	stream.indirect_vreg.gather [hbm4b:s8+s4], $0x80, v20, vm0, $0xb8;
	[tilespmem:$0x6300] =	vst v63  }
0x164: {  	s28 =	simm.s32 $0x4380;
	v29 =	vperm.xlane v18, v7;
	v28 =	vadd.s32 v1, v27  }
0x165: {  	[tilespmem:s28], [sflag:$0x2] =	stream.indirect_vreg.gather [hbm4b:s8+s4], $0x80, v21, vm0, $0xb8;
	[tilespmem:$0x6300] =	vst v63  }
0x166: {  	s29 =	simm.s32 $0x4400;
	v31 =	vperm.xlane v18, v9;
	v30 =	vadd.s32 v1, v29  }
0x167: {  	[tilespmem:s29], [sflag:$0x2] =	stream.indirect_vreg.gather [hbm4b:s8+s4], $0x80, v26, vm0, $0xb8;
	[tilespmem:$0x6300] =	vst v63  }
0x168: {  	s30 =	simm.s32 $0x4480;
	v33 =	vperm.xlane v18, v8;
	v32 =	vadd.s32 v1, v31  }
0x169: {  	[tilespmem:s30], [sflag:$0x2] =	stream.indirect_vreg.gather [hbm4b:s8+s4], $0x80, v28, vm0, $0xb8;
	[tilespmem:$0x6300] =	vst v63  }
0x16a: {  	s31 =	simm.s32 $0x4500;
	v35 =	vperm.xlane v18, v10;
	v34 =	vadd.s32 v1, v33  }
0x16b: {  	[tilespmem:s31], [sflag:$0x2] =	stream.indirect_vreg.gather [hbm4b:s8+s4], $0x80, v30, vm0, $0xb8;
	[tilespmem:$0x6300] =	vst v63  }
0x16c: {  	s11 =	simm.s32 $0x4580;
	v37 =	vperm.xlane v18, v11;
	v36 =	vadd.s32 v1, v35  }
0x16d: {  	[tilespmem:s11], [sflag:$0x2] =	stream.indirect_vreg.gather [hbm4b:s8+s4], $0x80, v32, vm0, $0xb8;
	[tilespmem:$0x6300] =	vst v63  }
0x16e: {  	s12 =	simm.s32 $0x4600;
	v39 =	vperm.xlane v18, v12;
	v38 =	vadd.s32 v1, v37  }
0x16f: {  	[tilespmem:s12], [sflag:$0x2] =	stream.indirect_vreg.gather [hbm4b:s8+s4], $0x80, v34, vm0, $0xb8;
	[tilespmem:$0x6300] =	vst v63  }
0x170: {  	s13 =	simm.s32 $0x4680;
	v41 =	vperm.xlane v18, v13;
	v40 =	vadd.s32 v1, v39  }
0x171: {  	[tilespmem:s13], [sflag:$0x2] =	stream.indirect_vreg.gather [hbm4b:s8+s4], $0x80, v36, vm0, $0xb8;
	[tilespmem:$0x6300] =	vst v63  }
0x172: {  	s14 =	simm.s32 $0x4700;
	v43 =	vperm.xlane v18, v14;
	v42 =	vadd.s32 v1, v41  }
0x173: {  	[tilespmem:s14], [sflag:$0x2] =	stream.indirect_vreg.gather [hbm4b:s8+s4], $0x80, v38, vm0, $0xb8;
	[tilespmem:$0x6300] =	vst v63  }
0x174: {  	s15 =	simm.s32 $0x4780;
	v45 =	vperm.xlane v18, v15;
	v44 =	vadd.s32 v1, v43  }
0x175: {  	[tilespmem:s15], [sflag:$0x2] =	stream.indirect_vreg.gather [hbm4b:s8+s4], $0x80, v40, vm0, $0xb8;
	[tilespmem:$0x6300] =	vst v63  }
0x176: {  	s16 =	simm.s32 $0x4800;
	v47 =	vperm.xlane v18, v16;
	v46 =	vadd.s32 v1, v45  }
0x177: {  	[tilespmem:s16], [sflag:$0x2] =	stream.indirect_vreg.gather [hbm4b:s8+s4], $0x80, v42, vm0, $0xb8;
	[tilespmem:$0x6300] =	vst v63  }
0x178: {  	s17 =	simm.s32 $0x4880;
	v18 =	vperm.xlane v18, v17;
	v48 =	vadd.s32 v1, v47  }
0x179: {  	[tilespmem:s17], [sflag:$0x2] =	stream.indirect_vreg.gather [hbm4b:s8+s4], $0x80, v44, vm0, $0xb8;
	[tilespmem:$0x6300] =	vst v63  }
0x17a: {  	s18 =	simm.s32 $0x4900;
	v18 =	vadd.s32 v1, v18  }
0x17b: {  	[tilespmem:s18], [sflag:$0x2] =	stream.indirect_vreg.gather [hbm4b:s8+s4], $0x80, v46, vm0, $0xb8;
	[tilespmem:$0x6300] =	vst v63  }
0x17c: {  	s19 =	simm.s32 $0x4980  }
0x17d: {  	[tilespmem:s19], [sflag:$0x2] =	stream.indirect_vreg.gather [hbm4b:s8+s4], $0x80, v48, vm0, $0xb8;
	[tilespmem:$0x6300] =	vst v63  }
0x17e: {  	s20 =	simm.s32 $0x4A00  }
0x17f: {  	[tilespmem:s20], [sflag:$0x2] =	stream.indirect_vreg.gather [hbm4b:s8+s4], $0x80, v18, vm0, $0xb8;
	[tilespmem:$0x6300] =	vst v63  }
0x180: {  	v18 =	vld [tilespmem:$0x210];
	_ =	sdelay $0x4  }
0x181: {  	v49 =	vshll.u32 v18, $0x3  }
0x182: {  	v18 =	vand.u32 $0x7, v18;
	v19 =	vand.u32 $0xFFFFFFC0, v49  }
0x183: {  	v18 =	vor.u32 v18, v19  }
0x184: {  	v19 =	vperm.xlane v18, v2;
	_ =	sdelay $0x1  }
0x185: {  	v50 =	vperm.xlane v18, v3;
	v19 =	vadd.s32 v1, v19;
	_ =	sdelay $0x1  }
0x186: {  	v51 =	vperm.xlane v18, v4;
	v20 =	vadd.s32 v1, v50;
	_ =	sdelay $0x1  }
0x187: {  	s21 =	simm.s32 $0x4A80;
	v52 =	vperm.xlane v18, v5;
	v21 =	vadd.s32 v1, v51  }
0x188: {  	[tilespmem:s21], [sflag:$0x2] =	stream.indirect_vreg.gather [hbm4b:s8+s4], $0x80, v19, vm0, $0xb8;
	[tilespmem:$0x6300] =	vst v63  }
0x189: {  	s22 =	simm.s32 $0x4B00;
	v54 =	vperm.xlane v18, v6;
	v53 =	vadd.s32 v1, v52  }
0x18a: {  	[tilespmem:s22], [sflag:$0x2] =	stream.indirect_vreg.gather [hbm4b:s8+s4], $0x80, v20, vm0, $0xb8;
	[tilespmem:$0x6300] =	vst v63  }
0x18b: {  	s23 =	simm.s32 $0x4B80;
	v56 =	vperm.xlane v18, v7;
	v55 =	vadd.s32 v1, v54  }
0x18c: {  	[tilespmem:s23], [sflag:$0x2] =	stream.indirect_vreg.gather [hbm4b:s8+s4], $0x80, v21, vm0, $0xb8;
	[tilespmem:$0x6300] =	vst v63  }
0x18d: {  	s24 =	simm.s32 $0x4C00;
	v58 =	vperm.xlane v18, v9;
	v57 =	vadd.s32 v1, v56  }
0x18e: {  	[tilespmem:s24], [sflag:$0x2] =	stream.indirect_vreg.gather [hbm4b:s8+s4], $0x80, v53, vm0, $0xb8;
	[tilespmem:$0x6300] =	vst v63  }
0x18f: {  	s25 =	simm.s32 $0x4C80;
	v60 =	vperm.xlane v18, v8;
	v59 =	vadd.s32 v1, v58  }
0x190: {  	[tilespmem:s25], [sflag:$0x2] =	stream.indirect_vreg.gather [hbm4b:s8+s4], $0x80, v55, vm0, $0xb8;
	[tilespmem:$0x6300] =	vst v63  }
0x191: {  	s26 =	simm.s32 $0x4D00;
	v62 =	vperm.xlane v18, v10;
	v61 =	vadd.s32 v1, v60  }
0x192: {  	[tilespmem:s26], [sflag:$0x2] =	stream.indirect_vreg.gather [hbm4b:s8+s4], $0x80, v57, vm0, $0xb8;
	[tilespmem:$0x6300] =	vst v63  }
0x193: {  	s28 =	simm.s32 $0x4D80;
	v24 =	vperm.xlane v18, v11;
	v63 =	vadd.s32 v1, v62  }
0x194: {  	[tilespmem:s28], [sflag:$0x2] =	stream.indirect_vreg.gather [hbm4b:s8+s4], $0x80, v59, vm0, $0xb8;
	[tilespmem:$0x6300] =	vst v63  }
0x195: {  	s29 =	simm.s32 $0x4E00;
	v26 =	vperm.xlane v18, v12;
	v25 =	vadd.s32 v1, v24  }
0x196: {  	[tilespmem:s29], [sflag:$0x2] =	stream.indirect_vreg.gather [hbm4b:s8+s4], $0x80, v61, vm0, $0xb8;
	[tilespmem:$0x6300] =	vst v63  }
0x197: {  	s30 =	simm.s32 $0x4E80;
	v28 =	vperm.xlane v18, v13;
	v27 =	vadd.s32 v1, v26  }
0x198: {  	[tilespmem:s30], [sflag:$0x2] =	stream.indirect_vreg.gather [hbm4b:s8+s4], $0x80, v63, vm0, $0xb8;
	[tilespmem:$0x6300] =	vst v63  }
0x199: {  	s31 =	simm.s32 $0x4F00;
	v30 =	vperm.xlane v18, v14;
	v29 =	vadd.s32 v1, v28  }
0x19a: {  	[tilespmem:s31], [sflag:$0x2] =	stream.indirect_vreg.gather [hbm4b:s8+s4], $0x80, v25, vm0, $0xb8;
	[tilespmem:$0x6300] =	vst v63  }
0x19b: {  	s11 =	simm.s32 $0x4F80;
	v32 =	vperm.xlane v18, v15;
	v31 =	vadd.s32 v1, v30  }
0x19c: {  	[tilespmem:s11], [sflag:$0x2] =	stream.indirect_vreg.gather [hbm4b:s8+s4], $0x80, v27, vm0, $0xb8;
	[tilespmem:$0x6300] =	vst v63  }
0x19d: {  	s12 =	simm.s32 $0x5000;
	v34 =	vperm.xlane v18, v16;
	v33 =	vadd.s32 v1, v32  }
0x19e: {  	[tilespmem:s12], [sflag:$0x2] =	stream.indirect_vreg.gather [hbm4b:s8+s4], $0x80, v29, vm0, $0xb8;
	[tilespmem:$0x6300] =	vst v63  }
0x19f: {  	s13 =	simm.s32 $0x5080;
	v18 =	vperm.xlane v18, v17;
	v35 =	vadd.s32 v1, v34  }
0x1a0: {  	[tilespmem:s13], [sflag:$0x2] =	stream.indirect_vreg.gather [hbm4b:s8+s4], $0x80, v31, vm0, $0xb8;
	[tilespmem:$0x6300] =	vst v63  }
0x1a1: {  	s14 =	simm.s32 $0x5100;
	v18 =	vadd.s32 v1, v18  }
0x1a2: {  	[tilespmem:s14], [sflag:$0x2] =	stream.indirect_vreg.gather [hbm4b:s8+s4], $0x80, v33, vm0, $0xb8;
	[tilespmem:$0x6300] =	vst v63  }
0x1a3: {  	s15 =	simm.s32 $0x5180  }
0x1a4: {  	[tilespmem:s15], [sflag:$0x2] =	stream.indirect_vreg.gather [hbm4b:s8+s4], $0x80, v35, vm0, $0xb8;
	[tilespmem:$0x6300] =	vst v63  }
0x1a5: {  	s16 =	simm.s32 $0x5200  }
0x1a6: {  	[tilespmem:s16], [sflag:$0x2] =	stream.indirect_vreg.gather [hbm4b:s8+s4], $0x80, v18, vm0, $0xb8;
	[tilespmem:$0x6300] =	vst v63  }
0x1a7: {  	v18 =	vld [tilespmem:$0x220];
	_ =	sdelay $0x4  }
0x1a8: {  	v36 =	vshll.u32 v18, $0x3  }
0x1a9: {  	v18 =	vand.u32 $0x7, v18;
	v19 =	vand.u32 $0xFFFFFFC0, v36  }
0x1aa: {  	v18 =	vor.u32 v18, v19  }
0x1ab: {  	v19 =	vperm.xlane v18, v2;
	_ =	sdelay $0x1  }
0x1ac: {  	v37 =	vperm.xlane v18, v3;
	v19 =	vadd.s32 v1, v19;
	_ =	sdelay $0x1  }
0x1ad: {  	v38 =	vperm.xlane v18, v4;
	v20 =	vadd.s32 v1, v37;
	_ =	sdelay $0x1  }
0x1ae: {  	s17 =	simm.s32 $0x5280;
	v39 =	vperm.xlane v18, v5;
	v21 =	vadd.s32 v1, v38  }
0x1af: {  	[tilespmem:s17], [sflag:$0x2] =	stream.indirect_vreg.gather [hbm4b:s8+s4], $0x80, v19, vm0, $0xb8;
	[tilespmem:$0x6300] =	vst v63  }
0x1b0: {  	s18 =	simm.s32 $0x5300;
	v41 =	vperm.xlane v18, v6;
	v40 =	vadd.s32 v1, v39  }
0x1b1: {  	[tilespmem:s18], [sflag:$0x2] =	stream.indirect_vreg.gather [hbm4b:s8+s4], $0x80, v20, vm0, $0xb8;
	[tilespmem:$0x6300] =	vst v63  }
0x1b2: {  	s19 =	simm.s32 $0x5380;
	v43 =	vperm.xlane v18, v7;
	v42 =	vadd.s32 v1, v41  }
0x1b3: {  	[tilespmem:s19], [sflag:$0x2] =	stream.indirect_vreg.gather [hbm4b:s8+s4], $0x80, v21, vm0, $0xb8;
	[tilespmem:$0x6300] =	vst v63  }
0x1b4: {  	s20 =	simm.s32 $0x5400;
	v45 =	vperm.xlane v18, v9;
	v44 =	vadd.s32 v1, v43  }
0x1b5: {  	[tilespmem:s20], [sflag:$0x2] =	stream.indirect_vreg.gather [hbm4b:s8+s4], $0x80, v40, vm0, $0xb8;
	[tilespmem:$0x6300] =	vst v63  }
0x1b6: {  	s21 =	simm.s32 $0x5480;
	v47 =	vperm.xlane v18, v8;
	v46 =	vadd.s32 v1, v45  }
0x1b7: {  	[tilespmem:s21], [sflag:$0x2] =	stream.indirect_vreg.gather [hbm4b:s8+s4], $0x80, v42, vm0, $0xb8;
	[tilespmem:$0x6300] =	vst v63  }
0x1b8: {  	s22 =	simm.s32 $0x5500;
	v49 =	vperm.xlane v18, v10;
	v48 =	vadd.s32 v1, v47  }
0x1b9: {  	[tilespmem:s22], [sflag:$0x2] =	stream.indirect_vreg.gather [hbm4b:s8+s4], $0x80, v44, vm0, $0xb8;
	[tilespmem:$0x6300] =	vst v63  }
0x1ba: {  	s23 =	simm.s32 $0x5580;
	v51 =	vperm.xlane v18, v11;
	v50 =	vadd.s32 v1, v49  }
0x1bb: {  	[tilespmem:s23], [sflag:$0x2] =	stream.indirect_vreg.gather [hbm4b:s8+s4], $0x80, v46, vm0, $0xb8;
	[tilespmem:$0x6300] =	vst v63  }
0x1bc: {  	s24 =	simm.s32 $0x5600;
	v53 =	vperm.xlane v18, v12;
	v52 =	vadd.s32 v1, v51  }
0x1bd: {  	[tilespmem:s24], [sflag:$0x2] =	stream.indirect_vreg.gather [hbm4b:s8+s4], $0x80, v48, vm0, $0xb8;
	[tilespmem:$0x6300] =	vst v63  }
0x1be: {  	s25 =	simm.s32 $0x5680;
	v55 =	vperm.xlane v18, v13;
	v54 =	vadd.s32 v1, v53  }
0x1bf: {  	[tilespmem:s25], [sflag:$0x2] =	stream.indirect_vreg.gather [hbm4b:s8+s4], $0x80, v50, vm0, $0xb8;
	[tilespmem:$0x6300] =	vst v63  }
0x1c0: {  	s26 =	simm.s32 $0x5700;
	v57 =	vperm.xlane v18, v14;
	v56 =	vadd.s32 v1, v55  }
0x1c1: {  	[tilespmem:s26], [sflag:$0x2] =	stream.indirect_vreg.gather [hbm4b:s8+s4], $0x80, v52, vm0, $0xb8;
	[tilespmem:$0x6300] =	vst v63  }
0x1c2: {  	s28 =	simm.s32 $0x5780;
	v59 =	vperm.xlane v18, v15;
	v58 =	vadd.s32 v1, v57  }
0x1c3: {  	[tilespmem:s28], [sflag:$0x2] =	stream.indirect_vreg.gather [hbm4b:s8+s4], $0x80, v54, vm0, $0xb8;
	[tilespmem:$0x6300] =	vst v63  }
0x1c4: {  	s29 =	simm.s32 $0x5800;
	v61 =	vperm.xlane v18, v16;
	v60 =	vadd.s32 v1, v59  }
0x1c5: {  	[tilespmem:s29], [sflag:$0x2] =	stream.indirect_vreg.gather [hbm4b:s8+s4], $0x80, v56, vm0, $0xb8;
	[tilespmem:$0x6300] =	vst v63  }
0x1c6: {  	s30 =	simm.s32 $0x5880;
	v18 =	vperm.xlane v18, v17;
	v62 =	vadd.s32 v1, v61  }
0x1c7: {  	[tilespmem:s30], [sflag:$0x2] =	stream.indirect_vreg.gather [hbm4b:s8+s4], $0x80, v58, vm0, $0xb8;
	[tilespmem:$0x6300] =	vst v63  }
0x1c8: {  	s31 =	simm.s32 $0x5900;
	v18 =	vadd.s32 v1, v18  }
0x1c9: {  	[tilespmem:s31], [sflag:$0x2] =	stream.indirect_vreg.gather [hbm4b:s8+s4], $0x80, v60, vm0, $0xb8;
	[tilespmem:$0x6300] =	vst v63  }
0x1ca: {  	s11 =	simm.s32 $0x5980  }
0x1cb: {  	[tilespmem:s11], [sflag:$0x2] =	stream.indirect_vreg.gather [hbm4b:s8+s4], $0x80, v62, vm0, $0xb8;
	[tilespmem:$0x6300] =	vst v63  }
0x1cc: {  	s12 =	simm.s32 $0x5A00  }
0x1cd: {  	[tilespmem:s12], [sflag:$0x2] =	stream.indirect_vreg.gather [hbm4b:s8+s4], $0x80, v18, vm0, $0xb8;
	[tilespmem:$0x6300] =	vst v63  }
0x1ce: {  	v18 =	vld [tilespmem:$0x230];
	_ =	sdelay $0x4  }
0x1cf: {  	v63 =	vshll.u32 v18, $0x3  }
0x1d0: {  	v18 =	vand.u32 $0x7, v18;
	v19 =	vand.u32 $0xFFFFFFC0, v63  }
0x1d1: {  	v18 =	vor.u32 v18, v19  }
0x1d2: {  	v2 =	vperm.xlane v18, v2;
	_ =	sdelay $0x1  }
0x1d3: {  	v3 =	vperm.xlane v18, v3;
	v2 =	vadd.s32 v1, v2;
	_ =	sdelay $0x1  }
0x1d4: {  	v4 =	vperm.xlane v18, v4;
	v3 =	vadd.s32 v1, v3;
	_ =	sdelay $0x1  }
0x1d5: {  	s13 =	simm.s32 $0x5A80;
	v5 =	vperm.xlane v18, v5;
	v4 =	vadd.s32 v1, v4  }
0x1d6: {  	[tilespmem:s13], [sflag:$0x2] =	stream.indirect_vreg.gather [hbm4b:s8+s4], $0x80, v2, vm0, $0xb8;
	[tilespmem:$0x6300] =	vst v63  }
0x1d7: {  	s14 =	simm.s32 $0x5B00;
	v2 =	vadd.s32 v1, v5;
	v5 =	vperm.xlane v18, v6  }
0x1d8: {  	[tilespmem:s14], [sflag:$0x2] =	stream.indirect_vreg.gather [hbm4b:s8+s4], $0x80, v3, vm0, $0xb8;
	[tilespmem:$0x6300] =	vst v63  }
0x1d9: {  	s15 =	simm.s32 $0x5B80;
	v3 =	vadd.s32 v1, v5;
	v5 =	vperm.xlane v18, v7  }
0x1da: {  	[tilespmem:s15], [sflag:$0x2] =	stream.indirect_vreg.gather [hbm4b:s8+s4], $0x80, v4, vm0, $0xb8;
	[tilespmem:$0x6300] =	vst v63  }
0x1db: {  	s16 =	simm.s32 $0x5C00;
	v4 =	vadd.s32 v1, v5;
	v5 =	vperm.xlane v18, v9  }
0x1dc: {  	[tilespmem:s16], [sflag:$0x2] =	stream.indirect_vreg.gather [hbm4b:s8+s4], $0x80, v2, vm0, $0xb8;
	[tilespmem:$0x6300] =	vst v63  }
0x1dd: {  	s17 =	simm.s32 $0x5C80;
	v2 =	vadd.s32 v1, v5;
	v5 =	vperm.xlane v18, v8  }
0x1de: {  	[tilespmem:s17], [sflag:$0x2] =	stream.indirect_vreg.gather [hbm4b:s8+s4], $0x80, v3, vm0, $0xb8;
	[tilespmem:$0x6300] =	vst v63  }
0x1df: {  	s18 =	simm.s32 $0x5D00;
	v3 =	vadd.s32 v1, v5;
	v5 =	vperm.xlane v18, v10  }
0x1e0: {  	[tilespmem:s18], [sflag:$0x2] =	stream.indirect_vreg.gather [hbm4b:s8+s4], $0x80, v4, vm0, $0xb8;
	[tilespmem:$0x6300] =	vst v63  }
0x1e1: {  	s19 =	simm.s32 $0x5D80;
	v4 =	vadd.s32 v1, v5;
	v5 =	vperm.xlane v18, v11  }
0x1e2: {  	[tilespmem:s19], [sflag:$0x2] =	stream.indirect_vreg.gather [hbm4b:s8+s4], $0x80, v2, vm0, $0xb8;
	[tilespmem:$0x6300] =	vst v63  }
0x1e3: {  	s20 =	simm.s32 $0x5E00;
	v2 =	vadd.s32 v1, v5;
	v5 =	vperm.xlane v18, v12  }
0x1e4: {  	[tilespmem:s20], [sflag:$0x2] =	stream.indirect_vreg.gather [hbm4b:s8+s4], $0x80, v3, vm0, $0xb8;
	[tilespmem:$0x6300] =	vst v63  }
0x1e5: {  	s21 =	simm.s32 $0x5E80;
	v3 =	vadd.s32 v1, v5;
	v5 =	vperm.xlane v18, v13  }
0x1e6: {  	[tilespmem:s21], [sflag:$0x2] =	stream.indirect_vreg.gather [hbm4b:s8+s4], $0x80, v4, vm0, $0xb8;
	[tilespmem:$0x6300] =	vst v63  }
0x1e7: {  	s22 =	simm.s32 $0x5F00;
	v4 =	vadd.s32 v1, v5;
	v5 =	vperm.xlane v18, v14  }
0x1e8: {  	[tilespmem:s22], [sflag:$0x2] =	stream.indirect_vreg.gather [hbm4b:s8+s4], $0x80, v2, vm0, $0xb8;
	[tilespmem:$0x6300] =	vst v63  }
0x1e9: {  	s23 =	simm.s32 $0x5F80;
	v2 =	vadd.s32 v1, v5;
	v5 =	vperm.xlane v18, v15  }
0x1ea: {  	[tilespmem:s23], [sflag:$0x2] =	stream.indirect_vreg.gather [hbm4b:s8+s4], $0x80, v3, vm0, $0xb8;
	[tilespmem:$0x6300] =	vst v63  }
0x1eb: {  	s24 =	simm.s32 $0x6000;
	v3 =	vadd.s32 v1, v5;
	v5 =	vperm.xlane v18, v16  }
0x1ec: {  	[tilespmem:s24], [sflag:$0x2] =	stream.indirect_vreg.gather [hbm4b:s8+s4], $0x80, v4, vm0, $0xb8;
	[tilespmem:$0x6300] =	vst v63  }
0x1ed: {  	s25 =	simm.s32 $0x6080;
	v4 =	vadd.s32 v1, v5;
	v5 =	vperm.xlane v18, v17  }
0x1ee: {  	[tilespmem:s25], [sflag:$0x2] =	stream.indirect_vreg.gather [hbm4b:s8+s4], $0x80, v2, vm0, $0xb8;
	[tilespmem:$0x6300] =	vst v63  }
0x1ef: {  	s26 =	simm.s32 $0x6100;
	v5 =	vadd.s32 v1, v5  }
0x1f0: {  	[tilespmem:s26], [sflag:$0x2] =	stream.indirect_vreg.gather [hbm4b:s8+s4], $0x80, v3, vm0, $0xb8;
	[tilespmem:$0x6300] =	vst v63  }
0x1f1: {  	s9 =	sand.u32 $0x40, s9;
	s28 =	simm.s32 $0x6180;
	v1 =	vmul.u32 $0x80, v0  }
0x1f2: {  	v3 =	vmov s4;
	[tilespmem:s28], [sflag:$0x2] =	stream.indirect_vreg.gather [hbm4b:s8+s4], $0x80, v4, vm0, $0xb8;
	[tilespmem:$0x6300] =	vst v63  }
0x1f3: {  	s29 =	simm.s32 $0x6200;
	s30 =	simm.s32 $0x2;
	v0 =	vor.u32 s9, v0;
	v2 =	vor.u32 $0x2000, v1;
	v4 =	vshll.u32 v3, $0x7  }
0x1f4: {  	v6 =	vor.u32 s4, v0;
	v3 =	vor.u32 $0x4000, v1;
	v7 =	vadd.s32 v2, v4;
	[tilespmem:s29], [sflag:$0x2] =	stream.indirect_vreg.gather [hbm4b:s8+s4], $0x80, v5, vm0, $0xb8;
	[tilespmem:$0x6300] =	vst v63  }
0x1f5: {  	v5 =	vadd.s32 v3, v4;
	v7 =	vadd.s32 v6, v7;
	_ =	swait.ge [sflag:s30], $0x6000  }
0x1f6: {  	v5 =	vadd.s32 v6, v5;
	[sflag:s30] =	ssyncset.done $0x0  }
0x1f7: {  	v4 =	vor.u32 v1, v4;
	[sflag:s30] =	ssyncadd.s32 $0xFFFFA000  }
0x1f8: {  	v4 =	vadd.s32 v6, v4;
	v6 =	vld [tilespmem:s5+$0x0]  }
0x1f9: {  	v8 =	vld [tilespmem:s7+$0x0]  }
0x1fa: {  	v7 =	vld.idx.msk [tilespmem:v7+s6+$0x0], $0xffff  }
0x1fb: {  	v5 =	vld.idx.msk [tilespmem:v5+s6+$0x0], $0xffff  }
0x1fc: {  	v9 =	vld [tilespmem:s4+$0x0];
	_ =	sdelay $0x2  }
0x1fd: {  	v4 =	vld.idx.msk [tilespmem:v4+s6+$0x0], $0xffff  }
0x1fe: {  	vm0 =	veq.s32 v6, $0x0;
	v7 =	vadd.f32 $9.999999680e-21, v7;
	v5 =	vadd.f32 $9.999999680e-21, v5  }
0x1ff: {  	vm1 =	veq.s32 v8, $0x0;
	v6 =	vor.u32 v6, v8;
	vm2 =	vne.s32 v9, $0x0  }
0x200: {  	v7 =	vsel vm0, $0x1E3CE508, v7;
	vm0 =	veq.s32 v6, $0x0;
	v5 =	vsel vm1, $0x1E3CE508, v5  }
0x201: {  	vm0 =	vmor vm2, vm0;
	v5 =	vadd.f32 v5, v7  }
0x202: {  	v4 =	vnsel vm0, $0x0, v4  }
0x203: {  	v5 =	vadd.f32 v5, v4;
	_ =	sdelay $0x1  }
0x204: {  	v4 =	vand.u32 $0x7FFFFF, v5  }
0x205: {  	v4 =	vor.u32 $0x3F800000, v4  }
0x206: {  	v6 =	vmul.f32 $5.000000000e-01, v4  }
0x207: {  	vm0 =	vge.f32 v4, $1.414213540e+00  }
0x208: {  	v4 =	vsel vm0, v6, v4  }
0x209: {  	v6 =	vadd.f32 $1.000000000e+00, v4;
	_ =	sdelay $0x1  }
0x20a: {  	(erf) = vrcp.f32 v6;
	_ =	sdelay $0x7  }
0x20b: {  	v4 =	vadd.f32 $-1.000000000e+00, v4  }
0x20c: {  	v6 =	vpop (erf)  }
0x20d: {  	v6 =	vmul.f32 v6, v4;
	_ =	sdelay $0x1  }
0x20e: {  	v7 =	vmul.f32 v6, v6;
	_ =	sdelay $0x1  }
0x20f: {  	v4 =	vmul.f32 $1.428571490e-01, v7;
	_ =	sdelay $0x1  }
0x210: {  	v4 =	vadd.f32 $2.000000030e-01, v4;
	_ =	sdelay $0x1  }
0x211: {  	v4 =	vmul.f32 v4, v7;
	_ =	sdelay $0x1  }
0x212: {  	v8 =	vadd.f32 $3.333333430e-01, v4  }
0x213: {  	v5 =	vshrl.u32 v5, $0x17;
	v4 =	vimm.s32 $0xFFFFFF81  }
0x214: {  	v5 =	vand.u32 $0xFF, v5;
	v10 =	vsel vm0, $0xFFFFFF82, v4;
	v7 =	vmul.f32 v8, v7  }
0x215: {  	v5 =	vadd.s32 v5, v10  }
0x216: {  	v6 =	vadd.f32 v6, v6;
	v5 =	vcvt.s32.f32 v5;
	v7 =	vadd.f32 $1.000000000e+00, v7  }
0x217: {  	s31 =	simm.s32 $0x10  }
0x218: {  	v5 =	vmul.f32 $6.931471820e-01, v5;
	v6 =	vmul.f32 v7, v6;
	v7 =	vmov s31  }
0x219: {  	vm0 =	veq.s32 v9, $0xFFFFFF9C;
	v7 =	vshll.u32 v7, $0x7  }
0x21a: {  	v10 =	vor.u32 s31, v0;
	v5 =	vadd.f32 v6, v5;
	v6 =	vadd.s32 v2, v7  }
0x21b: {  	s12 =	simm.s32 $0x20;
	v9 =	vor.u32 v1, v7;
	v8 =	vadd.s32 v3, v7;
	v7 =	vadd.s32 v10, v6  }
0x21c: {  	s9 =	simm.s32 $0x110;
	s8 =	simm.s32 $0x6280;
	s7 =	simm.s32 $0x6290;
	v6 =	vadd.s32 v10, v8;
	v8 =	vsub.f32 $0.0e+00, v5;
	v5 =	vadd.s32 v10, v9  }
.LBB2_1:
0x21d: {  	s4 =	sadd.s32 $0x10, s4  }
0x21e: {  	v8 =	vsel vm0, $0x0, v8;
	s5 =	sadd.s32 $0x10, s5;
	s11 =	smov.u32 s12;
	s10 =	sadd.s32 $0x10, s12  }
0x21f: {  	p0 =	sne.s32 s12, $0x30;
	[tilespmem:s8+$0x0] =	vst v8;
	s8 =	smov.u32 s7  }
0x220: {  	v8 =	vld [tilespmem:s9+$0x0]  }
0x221: {  	v7 =	vld.idx.msk [tilespmem:v7+s6+$0x0], $0xffff  }
0x222: {  	v6 =	vld.idx.msk [tilespmem:v6+s6+$0x0], $0xffff  }
0x223: {  	v9 =	vld [tilespmem:s5+$0x0]  }
0x224: {  	v10 =	vld [tilespmem:s4+$0x0]  }
0x225: {  	v5 =	vld.idx.msk [tilespmem:v5+s6+$0x0], $0xffff;
	_ =	sdelay $0x1  }
0x226: {  	vm0 =	veq.s32 v8, $0x0;
	v7 =	vadd.f32 $9.999999680e-21, v7  }
0x227: {  	v6 =	vadd.f32 $9.999999680e-21, v6;
	vm1 =	veq.s32 v9, $0x0;
	v8 =	vor.u32 v9, v8  }
0x228: {  	v7 =	vsel vm1, $0x1E3CE508, v7;
	vm1 =	veq.s32 v8, $0x0;
	vm2 =	vne.s32 v10, $0x0  }
0x229: {  	v6 =	vsel vm0, $0x1E3CE508, v6;
	vm0 =	vmor vm2, vm1  }
0x22a: {  	v6 =	vadd.f32 v6, v7;
	v5 =	vnsel vm0, $0x0, v5;
	_ =	sdelay $0x1  }
0x22b: {  	v5 =	vadd.f32 v6, v5;
	_ =	sdelay $0x1  }
0x22c: {  	v6 =	vshrl.u32 v5, $0x17;
	v5 =	vand.u32 $0x7FFFFF, v5  }
0x22d: {  	v5 =	vor.u32 $0x3F800000, v5  }
0x22e: {  	vm0 =	vge.f32 v5, $1.414213540e+00;
	v7 =	vmul.f32 $5.000000000e-01, v5  }
0x22f: {  	v6 =	vand.u32 $0xFF, v6;
	v8 =	vsel vm0, $0xFFFFFF82, v4  }
0x230: {  	v5 =	vsel vm0, v7, v5;
	v6 =	vadd.s32 v6, v8  }
0x231: {  	v7 =	vadd.f32 $1.000000000e+00, v5;
	v6 =	vcvt.s32.f32 v6;
	_ =	sdelay $0x1  }
0x232: {  	(erf) = vrcp.f32 v7;
	_ =	sdelay $0x6  }
0x233: {  	v5 =	vadd.f32 $-1.000000000e+00, v5;
	_ =	sdelay $0x1  }
0x234: {  	v7 =	vpop (erf)  }
0x235: {  	v5 =	vmul.f32 v7, v5;
	_ =	sdelay $0x1  }
0x236: {  	v7 =	vmul.f32 v5, v5;
	_ =	sdelay $0x1  }
0x237: {  	v8 =	vmul.f32 $1.428571490e-01, v7;
	_ =	sdelay $0x1  }
0x238: {  	v8 =	vadd.f32 $2.000000030e-01, v8;
	_ =	sdelay $0x1  }
0x239: {  	v8 =	vmul.f32 v8, v7;
	_ =	sdelay $0x1  }
0x23a: {  	v8 =	vadd.f32 $3.333333430e-01, v8;
	_ =	sdelay $0x1  }
0x23b: {  	v7 =	vmul.f32 v8, v7  }
0x23c: {  	v5 =	vadd.f32 v5, v5  }
0x23d: {  	v7 =	vadd.f32 $1.000000000e+00, v7  }
0x23e: {  	v6 =	vmul.f32 $6.931471820e-01, v6  }
0x23f: {  	v5 =	vmul.f32 v7, v5  }
.Ltmp0:
0x240: {  	v9 =	vor.u32 s11, v0;
	v7 =	vmov s11;
	(pc) =	sbr.rel @p0 .LBB2_1-.Ltmp0, $4  }
0x241: {  	vm0 =	veq.s32 v10, $0xFFFFFF9C;
	v7 =	vshll.u32 v7, $0x7;
	v5 =	vadd.f32 v5, v6  }
0x242: {  	v10 =	vor.u32 v1, v7;
	v6 =	vadd.s32 v2, v7;
	v8 =	vadd.s32 v3, v7  }
0x243: {  	v7 =	vadd.s32 v9, v6;
	v6 =	vadd.s32 v9, v8;
	v8 =	vsub.f32 $0.0e+00, v5  }
0x244: {  	s7 =	sadd.s32 $0x10, s7;
	s12 =	smov.u32 s10;
	s9 =	sadd.s32 $0x10, s9;
	v5 =	vadd.s32 v9, v10  }
0x245: {  	_ =	sdelay $0x1  }
0x246: {  	v0 =	vsel vm0, $0x0, v8  }
0x247: {  	[tilespmem:s8+$0x0] =	vst v0  }
0x248: {  	v0 =	vld.idx.msk [tilespmem:v7+s6+$0x0], $0xffff  }
0x249: {  	s5 =	sadd.s32 $0x10, s5;
	v1 =	vld.idx.msk [tilespmem:v6+s6+$0x0], $0xffff  }
0x24a: {  	v2 =	vld [tilespmem:s5+$0x0]  }
0x24b: {  	s4 =	sadd.s32 $0x10, s4;
	v3 =	vld [tilespmem:s9+$0x0]  }
0x24c: {  	v60 =	vld [tilespmem:s4+$0x0];
	_ =	sdelay $0x2  }
0x24d: {  	v5 =	vld.idx.msk [tilespmem:v5+s6+$0x0], $0xffff  }
0x24e: {  	v0 =	vadd.f32 $9.999999680e-21, v0;
	vm12 =	veq.s32 v2, $0x0;
	v1 =	vadd.f32 $9.999999680e-21, v1  }
0x24f: {  	vm1 =	veq.s32 v3, $0x0;
	v2 =	vor.u32 v2, v3;
	vm2 =	vne.s32 v60, $0x0  }
0x250: {  	vm13 =	veq.s32 v2, $0x0;
	v0 =	vsel vm12, $0x1E3CE508, v0;
	v1 =	vsel vm1, $0x1E3CE508, v1  }
0x251: {  	vm0 =	vmor vm2, vm13;
	v0 =	vadd.f32 v1, v0  }
0x252: {  	v61 =	vnsel vm0, $0x0, v5  }
0x253: {  	v0 =	vadd.f32 v0, v61;
	_ =	sdelay $0x1  }
0x254: {  	v1 =	vand.u32 $0x7FFFFF, v0  }
0x255: {  	v1 =	vor.u32 $0x3F800000, v1  }
0x256: {  	v62 =	vmul.f32 $5.000000000e-01, v1  }
0x257: {  	vm14 =	vge.f32 v1, $1.414213540e+00  }
0x258: {  	v1 =	vsel vm14, v62, v1  }
0x259: {  	v2 =	vadd.f32 $1.000000000e+00, v1;
	_ =	sdelay $0x1  }
0x25a: {  	(erf) = vrcp.f32 v2;
	_ =	sdelay $0x7  }
0x25b: {  	v1 =	vadd.f32 $-1.000000000e+00, v1  }
0x25c: {  	v2 =	vpop (erf)  }
0x25d: {  	v1 =	vmul.f32 v2, v1;
	_ =	sdelay $0x1  }
0x25e: {  	v2 =	vmul.f32 v1, v1;
	_ =	sdelay $0x1  }
0x25f: {  	v63 =	vmul.f32 $1.428571490e-01, v2;
	_ =	sdelay $0x1  }
0x260: {  	v3 =	vadd.f32 $2.000000030e-01, v63;
	_ =	sdelay $0x1  }
0x261: {  	v3 =	vmul.f32 v3, v2;
	_ =	sdelay $0x1  }
0x262: {  	v3 =	vadd.f32 $3.333333430e-01, v3  }
0x263: {  	v0 =	vshrl.u32 v0, $0x17  }
0x264: {  	v0 =	vand.u32 $0xFF, v0;
	v4 =	vsel vm14, $0xFFFFFF82, v4;
	v2 =	vmul.f32 v3, v2  }
0x265: {  	v0 =	vadd.s32 v0, v4  }
0x266: {  	v0 =	vcvt.s32.f32 v0;
	v1 =	vadd.f32 v1, v1;
	v2 =	vadd.f32 $1.000000000e+00, v2;
	_ =	sdelay $0x1  }
0x267: {  	v0 =	vmul.f32 $6.931471820e-01, v0;
	v1 =	vmul.f32 v2, v1;
	_ =	sdelay $0x1  }
0x268: {  	v0 =	vadd.f32 v1, v0;
	_ =	sdelay $0x1  }
0x269: {  	v0 =	vsub.f32 $0.0e+00, v0  }
0x26a: {  	vm15 =	veq.s32 v60, $0xFFFFFF9C  }
0x26b: {  	s2 =	sadd.s32 s2, s3;
	v0 =	vsel vm15, $0x0, v0  }
0x26c: {  	s29 =	simm.s32 $0x0;
	s30 =	simm.s32 $0x6280;
	s31 =	simm.s32 $0x3;
	[tilespmem:s7+$0x0] =	vst v0  }
0x26d: {  	[hbm4b:s2+s29] =	stream.linear.scatter [tilespmem:s30], [sflag:$0x3], $0x40, $0x38;
	[tilespmem:$0x6300] =	vst v63  }
0x26e: {  	_ =	swait.ge [sflag:s31], $0x40  }
0x26f: {  	[sflag:s31] =	ssyncset.done $0x0  }
0x270: {  	[sflag:s31] =	ssyncadd.s32 $0xFFFFFFC0  }
0x271: {  	_ =	sfence.sel $0x180000  }
0x272: {  	[bflag:$0x0] =	sbarrier.arrive $0xFFFF  }
0x273: {  	p0 =	sne.s32 s1, $0x0;
	_ =	strace $0x90000047  }
0x274: {  	s0 =	sadd.s32 @!p0 $0x100000, s0;
	[bflag:$0x2] =	sbarrier.arrive $0xFFFF  }
0x275: {  	[sflag:s0] =	ssyncadd.tile.s32 @!p0 $0x1;
	_ =	shalt  }
.Lfunc_end2:
_tile_overlayer_lowered:
.L_overlay_start_2:
0x276: {  	(tag) =	ssettag $0x2  }
0x277: {  	s0 =	rddreg [dreg:$0x0];
	s2 =	stileid.u32  }
0x278: {  	s1 =	rddreg [dreg:$0x1];
	p0 =	sne.s32 s2, $0x0  }
0x279: {  	s3 =	rddreg [dreg:$0x2];
	[bflag:$0x3] =	sbarrier.arrive $0xFFFF;
	s2 =	simm.s32 @!p0 $0x1C03  }
0x27a: {  	[timem:s3], [sflag:s2] =	dma.local @!p0 [hbm:s0], s1  }
0x27b: {  	s0 =	simm.s32 @!p0 $0x3  }
0x27c: {  	_ =	swait.ge @!p0 [sflag:s0], s1  }
0x27d: {  	s1 =	ssub.s32 @!p0 $0x0, s1;
	[sflag:s0] =	ssyncset.done @!p0 $0x0  }
0x27e: {  	[sflag:s0] =	ssyncadd.s32 @!p0 s1  }
0x27f: {  	[bflag:$0x3] =	sbarrier.arrive $0xFFFF  }
0x280: {  	_ =	shalt  }

</sc_bundles>
